<compile_context>
chip_gen: v7x
topology: tpu7x:2x2x1
jax: 0.10.2.dev20260603
libtpu: 0.0.44.dev20260713+nightly
codegen_flags: <defaults>
</compile_context>

<pallas_src>
import functools

import jax
import jax.numpy as jnp
from jax import lax
from jax.experimental import pallas as pl
from jax.experimental.pallas import tpu as pltpu
from jax.experimental.pallas import tpu_sc as plsc

VOCAB = 1000000
EMBED_DIM = 64
BATCH = 4096
HIST = 200

NC = 2
NS = 16
NW = NC * NS

TOTAL = BATCH * HIST
PER_W = TOTAL // NW
GROUP = 128
GROUPS = PER_W // GROUP
NBUF = 10
LEAD = 5


def _make_gather():
    mesh = plsc.VectorSubcoreMesh(core_axis_name="c", subcore_axis_name="s")

    @functools.partial(
        pl.kernel,
        out_type=jax.ShapeDtypeStruct((TOTAL, 128), jnp.float32),
        mesh=mesh,
        scratch_types=[
            pltpu.VMEM((GROUPS, GROUP), jnp.int32),
            pltpu.VMEM((NBUF, GROUP, EMBED_DIM), jnp.float32),
            pltpu.SemaphoreType.DMA((NBUF,)),
            pltpu.SemaphoreType.DMA((NBUF,)),
        ],
        compiler_params=pltpu.CompilerParams(use_tc_tiling_on_sc=False),
    )
    def gather_kernel(idx_hbm, table_hbm, out_hbm, idx_v, rows_v, gsem, ssem):
        wid = lax.axis_index("s") * NC + lax.axis_index("c")
        base = wid * PER_W
        pltpu.sync_copy(idx_hbm.at[wid], idx_v)

        def start_gather(g, b):
            pltpu.async_copy(table_hbm.at[idx_v.at[g]], rows_v.at[b],
                             gsem.at[b])

        def wait_gather(b):
            pltpu.make_async_copy(table_hbm.at[pl.ds(0, GROUP)],
                                  rows_v.at[b], gsem.at[b]).wait()

        def start_store(g, b):
            pltpu.async_copy(rows_v.at[b],
                             out_hbm.at[pl.ds(base + g * GROUP, GROUP),
                                        pl.ds(0, EMBED_DIM)],
                             ssem.at[b])

        def wait_store(b):
            pltpu.make_async_copy(rows_v.at[b],
                                  out_hbm.at[pl.ds(base, GROUP),
                                             pl.ds(0, EMBED_DIM)],
                                  ssem.at[b]).wait()

        for g in range(LEAD):
            start_gather(g, g % NBUF)

        def outer(i, _):
            t0 = i * NBUF
            for j in range(NBUF):
                t = t0 + j
                u = t + LEAD
                bu = (j + LEAD) % NBUF

                @pl.when(u < GROUPS)
                def _():
                    @pl.when(u >= NBUF)
                    def _():
                        wait_store(bu)
                    start_gather(u, bu)

                wait_gather(j)
                start_store(t, j)
            return ()

        lax.fori_loop(0, GROUPS // NBUF, outer, (), unroll=False)

        for b in range(NBUF):
            wait_store(b)

    return gather_kernel


_gather = _make_gather()


def kernel(batch, table):
    idx = batch.astype(jnp.int32).reshape(NW, GROUPS, GROUP)
    flat = _gather(idx, table)
    return flat[:, :EMBED_DIM].reshape(BATCH, HIST, EMBED_DIM)

# --- scband reference (transcript-rebuilt; emitter-appended) ---
"""Pipeline reference for scband-lookup-encoder-33423435498175 (READ-ONLY COPY).

The authoritative reference and input builder live on the scoring server;
editing this copy changes nothing except your own understanding.
"""

import jax, jax.numpy as jnp
import numpy as np

VOCAB = 1000000
EMBED_DIM = 64
BATCH = 4096
HIST = 200

def setup_inputs(seed: int = 0) -> dict:
    key = jax.random.key(seed)
    k1, k2 = jax.random.split(key)
    batch = jax.random.randint(k1, (BATCH, HIST), 0, VOCAB, dtype=jnp.int64 if jax.config.jax_enable_x64 else jnp.int32)
    table = jax.random.normal(k2, (VOCAB, EMBED_DIM), dtype=jnp.float32) * 0.02
    return {"batch": batch, "table": table}

def reference(batch, table):
    # nn.Embedding lookup: gather rows of the embedding table
    return jnp.take(table, batch, axis=0)

if __name__ == "__main__":
    import jax
    _d = setup_inputs()
    print(jax.jit(kernel)(*tuple(_d.values())))

</pallas_src>

<mosaic_0001>
#map = affine_map<(d0, d1) -> (0, 0, 0)>
#map1 = affine_map<(d0, d1) -> (0, 0)>
module attributes {stable_mosaic.version = 14 : i64} {
  func.func @gather_kernel(%arg0: i32, %arg1: i32, %arg2: memref<32x200x128xi32, #tpu.memory_space<hbm>>, %arg3: memref<1000000x64xf32, #tpu.memory_space<hbm>>, %arg4: memref<819200x128xf32, #tpu.memory_space<hbm>>, %arg5: memref<200x128xi32, #tpu.memory_space<vmem>>, %arg6: memref<10x128x64xf32, #tpu.memory_space<vmem>>, %arg7: memref<10x!tpu.dma_semaphore, #tpu.memory_space<semaphore_mem>>, %arg8: memref<10x!tpu.dma_semaphore, #tpu.memory_space<semaphore_mem>>) attributes {dimension_semantics = [#tpu.dimension_semantics<core_parallel>, #tpu.dimension_semantics<subcore_parallel>], iteration_bounds = array<i64: 2, 16>, scalar_prefetch = 0 : i64, scratch_operands = 4 : i64, tpu.core_type = #tpu.core_type<sc_vector_subcore>, window_params = [{transform_indices = #map}, {transform_indices = #map1}, {transform_indices = #map1}]} {
    %mul3A = arith.constant 2 : i32
    %mul3A_0 = arith.muli %arg1, %mul3A : i32
    %add3A = arith.addi %mul3A_0, %arg0 : i32
    %mul3A_1 = arith.constant 25600 : i32
    %mul3A_2 = arith.muli %add3A, %mul3A_1 : i32
    "tpu.region"() ({
      %run_scoped3A = tpu.sem_alloc : memref<!tpu.dma_semaphore, #tpu.memory_space<semaphore_mem>>
      %dma_start3A_240 = arith.constant 0 : i32
      %dma_start3A_241 = arith.constant 0 : i32
      %dma_start3A_242 = tpu.memref_slice %arg2[%add3A, %dma_start3A_240, %dma_start3A_241] : memref<32x200x128xi32, #tpu.memory_space<hbm>> -> memref<1x200x128xi32, #tpu.memory_space<hbm>>
      %dma_start3A_243 = tpu.memref_squeeze %dma_start3A_242 : memref<1x200x128xi32, #tpu.memory_space<hbm>> -> memref<200x128xi32, #tpu.memory_space<hbm>>
      %dma_start3A_244 = arith.constant 0 : i32
      %dma_start3A_245 = arith.constant 0 : i32
      %dma_start3A_246 = tpu.memref_slice %arg2[%add3A, %dma_start3A_244, %dma_start3A_245] : memref<32x200x128xi32, #tpu.memory_space<hbm>> -> memref<1x200x128xi32, #tpu.memory_space<hbm>>
      %dma_start3A_247 = tpu.memref_squeeze %dma_start3A_246 : memref<1x200x128xi32, #tpu.memory_space<hbm>> -> memref<200x128xi32, #tpu.memory_space<hbm>>
      tpu.enqueue_dma source(%dma_start3A_247 : memref<200x128xi32, #tpu.memory_space<hbm>>) target(%arg5 : memref<200x128xi32, #tpu.memory_space<vmem>>) target_semaphore(%run_scoped3A : memref<!tpu.dma_semaphore, #tpu.memory_space<semaphore_mem>>)
      %dma_wait3A_248 = arith.constant 0 : i32
      %dma_wait3A_249 = arith.constant 0 : i32
      %dma_wait3A_250 = tpu.memref_slice %arg2[%add3A, %dma_wait3A_248, %dma_wait3A_249] : memref<32x200x128xi32, #tpu.memory_space<hbm>> -> memref<1x200x128xi32, #tpu.memory_space<hbm>>
      %dma_wait3A_251 = tpu.memref_squeeze %dma_wait3A_250 : memref<1x200x128xi32, #tpu.memory_space<hbm>> -> memref<200x128xi32, #tpu.memory_space<hbm>>
      %dma_wait3A_252 = arith.constant 0 : i32
      %dma_wait3A_253 = arith.constant 0 : i32
      %dma_wait3A_254 = tpu.memref_slice %arg2[%add3A, %dma_wait3A_252, %dma_wait3A_253] : memref<32x200x128xi32, #tpu.memory_space<hbm>> -> memref<1x200x128xi32, #tpu.memory_space<hbm>>
      %dma_wait3A_255 = tpu.memref_squeeze %dma_wait3A_254 : memref<1x200x128xi32, #tpu.memory_space<hbm>> -> memref<200x128xi32, #tpu.memory_space<hbm>>
      tpu.wait_dma2 semaphore(%run_scoped3A : memref<!tpu.dma_semaphore, #tpu.memory_space<semaphore_mem>>) src(%dma_wait3A_255 : memref<200x128xi32, #tpu.memory_space<hbm>>) dst(%arg5 : memref<200x128xi32, #tpu.memory_space<vmem>>)
      tpu.yield
    }) : () -> ()
    %dma_start3A = arith.constant 0 : i32
    %dma_start3A_3 = arith.constant 0 : i32
    %dma_start3A_4 = arith.constant 0 : i32
    %dma_start3A_5 = arith.constant 0 : i32
    %dma_start3A_6 = arith.constant 0 : i32
    %dma_start3A_7 = tpu.memref_slice %arg6[%dma_start3A_3, %dma_start3A_5, %dma_start3A_6] : memref<10x128x64xf32, #tpu.memory_space<vmem>> -> memref<1x128x64xf32, #tpu.memory_space<vmem>>
    %dma_start3A_8 = tpu.memref_squeeze %dma_start3A_7 : memref<1x128x64xf32, #tpu.memory_space<vmem>> -> memref<128x64xf32, #tpu.memory_space<vmem>>
    %dma_start3A_9 = arith.constant 0 : i32
    %dma_start3A_10 = tpu.memref_slice %arg5[%dma_start3A, %dma_start3A_9] : memref<200x128xi32, #tpu.memory_space<vmem>> -> memref<1x128xi32, #tpu.memory_space<vmem>>
    %dma_start3A_11 = tpu.memref_squeeze %dma_start3A_10 : memref<1x128xi32, #tpu.memory_space<vmem>> -> memref<128xi32, #tpu.memory_space<vmem>>
    %dma_start3A_12 = arith.constant 0 : i32
    %dma_start3A_13 = arith.constant 0 : i32
    %dma_start3A_14 = tpu.memref_slice %arg3[%dma_start3A_12, %dma_start3A_13] : memref<1000000x64xf32, #tpu.memory_space<hbm>> -> memref<1000000x64xf32, #tpu.memory_space<hbm>>
    %dma_start3A_15 = tpu.memref_slice %arg7[%dma_start3A_4] : memref<10x!tpu.dma_semaphore, #tpu.memory_space<semaphore_mem>> -> memref<1x!tpu.dma_semaphore, #tpu.memory_space<semaphore_mem>>
    %dma_start3A_16 = tpu.memref_squeeze %dma_start3A_15 : memref<1x!tpu.dma_semaphore, #tpu.memory_space<semaphore_mem>> -> memref<!tpu.dma_semaphore, #tpu.memory_space<semaphore_mem>>
    tpu.enqueue_indirect_dma source(%dma_start3A_14 : memref<1000000x64xf32, #tpu.memory_space<hbm>>) target(%dma_start3A_8 : memref<128x64xf32, #tpu.memory_space<vmem>>) offsets(%dma_start3A_11 : memref<128xi32, #tpu.memory_space<vmem>>) semaphore(%dma_start3A_16 : memref<!tpu.dma_semaphore, #tpu.memory_space<semaphore_mem>>)
    %dma_start3A_17 = arith.constant 1 : i32
    %dma_start3A_18 = arith.constant 1 : i32
    %dma_start3A_19 = arith.constant 1 : i32
    %dma_start3A_20 = arith.constant 0 : i32
    %dma_start3A_21 = arith.constant 0 : i32
    %dma_start3A_22 = tpu.memref_slice %arg6[%dma_start3A_18, %dma_start3A_20, %dma_start3A_21] : memref<10x128x64xf32, #tpu.memory_space<vmem>> -> memref<1x128x64xf32, #tpu.memory_space<vmem>>
    %dma_start3A_23 = tpu.memref_squeeze %dma_start3A_22 : memref<1x128x64xf32, #tpu.memory_space<vmem>> -> memref<128x64xf32, #tpu.memory_space<vmem>>
    %dma_start3A_24 = arith.constant 0 : i32
    %dma_start3A_25 = tpu.memref_slice %arg5[%dma_start3A_17, %dma_start3A_24] : memref<200x128xi32, #tpu.memory_space<vmem>> -> memref<1x128xi32, #tpu.memory_space<vmem>>
    %dma_start3A_26 = tpu.memref_squeeze %dma_start3A_25 : memref<1x128xi32, #tpu.memory_space<vmem>> -> memref<128xi32, #tpu.memory_space<vmem>>
    %dma_start3A_27 = arith.constant 0 : i32
    %dma_start3A_28 = arith.constant 0 : i32
    %dma_start3A_29 = tpu.memref_slice %arg3[%dma_start3A_27, %dma_start3A_28] : memref<1000000x64xf32, #tpu.memory_space<hbm>> -> memref<1000000x64xf32, #tpu.memory_space<hbm>>
    %dma_start3A_30 = tpu.memref_slice %arg7[%dma_start3A_19] : memref<10x!tpu.dma_semaphore, #tpu.memory_space<semaphore_mem>> -> memref<1x!tpu.dma_semaphore, #tpu.memory_space<semaphore_mem>>
    %dma_start3A_31 = tpu.memref_squeeze %dma_start3A_30 : memref<1x!tpu.dma_semaphore, #tpu.memory_space<semaphore_mem>> -> memref<!tpu.dma_semaphore, #tpu.memory_space<semaphore_mem>>
    tpu.enqueue_indirect_dma source(%dma_start3A_29 : memref<1000000x64xf32, #tpu.memory_space<hbm>>) target(%dma_start3A_23 : memref<128x64xf32, #tpu.memory_space<vmem>>) offsets(%dma_start3A_26 : memref<128xi32, #tpu.memory_space<vmem>>) semaphore(%dma_start3A_31 : memref<!tpu.dma_semaphore, #tpu.memory_space<semaphore_mem>>)
    %dma_start3A_32 = arith.constant 2 : i32
    %dma_start3A_33 = arith.constant 2 : i32
    %dma_start3A_34 = arith.constant 2 : i32
    %dma_start3A_35 = arith.constant 0 : i32
    %dma_start3A_36 = arith.constant 0 : i32
    %dma_start3A_37 = tpu.memref_slice %arg6[%dma_start3A_33, %dma_start3A_35, %dma_start3A_36] : memref<10x128x64xf32, #tpu.memory_space<vmem>> -> memref<1x128x64xf32, #tpu.memory_space<vmem>>
    %dma_start3A_38 = tpu.memref_squeeze %dma_start3A_37 : memref<1x128x64xf32, #tpu.memory_space<vmem>> -> memref<128x64xf32, #tpu.memory_space<vmem>>
    %dma_start3A_39 = arith.constant 0 : i32
    %dma_start3A_40 = tpu.memref_slice %arg5[%dma_start3A_32, %dma_start3A_39] : memref<200x128xi32, #tpu.memory_space<vmem>> -> memref<1x128xi32, #tpu.memory_space<vmem>>
    %dma_start3A_41 = tpu.memref_squeeze %dma_start3A_40 : memref<1x128xi32, #tpu.memory_space<vmem>> -> memref<128xi32, #tpu.memory_space<vmem>>
    %dma_start3A_42 = arith.constant 0 : i32
    %dma_start3A_43 = arith.constant 0 : i32
    %dma_start3A_44 = tpu.memref_slice %arg3[%dma_start3A_42, %dma_start3A_43] : memref<1000000x64xf32, #tpu.memory_space<hbm>> -> memref<1000000x64xf32, #tpu.memory_space<hbm>>
    %dma_start3A_45 = tpu.memref_slice %arg7[%dma_start3A_34] : memref<10x!tpu.dma_semaphore, #tpu.memory_space<semaphore_mem>> -> memref<1x!tpu.dma_semaphore, #tpu.memory_space<semaphore_mem>>
    %dma_start3A_46 = tpu.memref_squeeze %dma_start3A_45 : memref<1x!tpu.dma_semaphore, #tpu.memory_space<semaphore_mem>> -> memref<!tpu.dma_semaphore, #tpu.memory_space<semaphore_mem>>
    tpu.enqueue_indirect_dma source(%dma_start3A_44 : memref<1000000x64xf32, #tpu.memory_space<hbm>>) target(%dma_start3A_38 : memref<128x64xf32, #tpu.memory_space<vmem>>) offsets(%dma_start3A_41 : memref<128xi32, #tpu.memory_space<vmem>>) semaphore(%dma_start3A_46 : memref<!tpu.dma_semaphore, #tpu.memory_space<semaphore_mem>>)
    %dma_start3A_47 = arith.constant 3 : i32
    %dma_start3A_48 = arith.constant 3 : i32
    %dma_start3A_49 = arith.constant 3 : i32
    %dma_start3A_50 = arith.constant 0 : i32
    %dma_start3A_51 = arith.constant 0 : i32
    %dma_start3A_52 = tpu.memref_slice %arg6[%dma_start3A_48, %dma_start3A_50, %dma_start3A_51] : memref<10x128x64xf32, #tpu.memory_space<vmem>> -> memref<1x128x64xf32, #tpu.memory_space<vmem>>
    %dma_start3A_53 = tpu.memref_squeeze %dma_start3A_52 : memref<1x128x64xf32, #tpu.memory_space<vmem>> -> memref<128x64xf32, #tpu.memory_space<vmem>>
    %dma_start3A_54 = arith.constant 0 : i32
    %dma_start3A_55 = tpu.memref_slice %arg5[%dma_start3A_47, %dma_start3A_54] : memref<200x128xi32, #tpu.memory_space<vmem>> -> memref<1x128xi32, #tpu.memory_space<vmem>>
    %dma_start3A_56 = tpu.memref_squeeze %dma_start3A_55 : memref<1x128xi32, #tpu.memory_space<vmem>> -> memref<128xi32, #tpu.memory_space<vmem>>
    %dma_start3A_57 = arith.constant 0 : i32
    %dma_start3A_58 = arith.constant 0 : i32
    %dma_start3A_59 = tpu.memref_slice %arg3[%dma_start3A_57, %dma_start3A_58] : memref<1000000x64xf32, #tpu.memory_space<hbm>> -> memref<1000000x64xf32, #tpu.memory_space<hbm>>
    %dma_start3A_60 = tpu.memref_slice %arg7[%dma_start3A_49] : memref<10x!tpu.dma_semaphore, #tpu.memory_space<semaphore_mem>> -> memref<1x!tpu.dma_semaphore, #tpu.memory_space<semaphore_mem>>
    %dma_start3A_61 = tpu.memref_squeeze %dma_start3A_60 : memref<1x!tpu.dma_semaphore, #tpu.memory_space<semaphore_mem>> -> memref<!tpu.dma_semaphore, #tpu.memory_space<semaphore_mem>>
    tpu.enqueue_indirect_dma source(%dma_start3A_59 : memref<1000000x64xf32, #tpu.memory_space<hbm>>) target(%dma_start3A_53 : memref<128x64xf32, #tpu.memory_space<vmem>>) offsets(%dma_start3A_56 : memref<128xi32, #tpu.memory_space<vmem>>) semaphore(%dma_start3A_61 : memref<!tpu.dma_semaphore, #tpu.memory_space<semaphore_mem>>)
    %dma_start3A_62 = arith.constant 4 : i32
    %dma_start3A_63 = arith.constant 4 : i32
    %dma_start3A_64 = arith.constant 4 : i32
    %dma_start3A_65 = arith.constant 0 : i32
    %dma_start3A_66 = arith.constant 0 : i32
    %dma_start3A_67 = tpu.memref_slice %arg6[%dma_start3A_63, %dma_start3A_65, %dma_start3A_66] : memref<10x128x64xf32, #tpu.memory_space<vmem>> -> memref<1x128x64xf32, #tpu.memory_space<vmem>>
    %dma_start3A_68 = tpu.memref_squeeze %dma_start3A_67 : memref<1x128x64xf32, #tpu.memory_space<vmem>> -> memref<128x64xf32, #tpu.memory_space<vmem>>
    %dma_start3A_69 = arith.constant 0 : i32
    %dma_start3A_70 = tpu.memref_slice %arg5[%dma_start3A_62, %dma_start3A_69] : memref<200x128xi32, #tpu.memory_space<vmem>> -> memref<1x128xi32, #tpu.memory_space<vmem>>
    %dma_start3A_71 = tpu.memref_squeeze %dma_start3A_70 : memref<1x128xi32, #tpu.memory_space<vmem>> -> memref<128xi32, #tpu.memory_space<vmem>>
    %dma_start3A_72 = arith.constant 0 : i32
    %dma_start3A_73 = arith.constant 0 : i32
    %dma_start3A_74 = tpu.memref_slice %arg3[%dma_start3A_72, %dma_start3A_73] : memref<1000000x64xf32, #tpu.memory_space<hbm>> -> memref<1000000x64xf32, #tpu.memory_space<hbm>>
    %dma_start3A_75 = tpu.memref_slice %arg7[%dma_start3A_64] : memref<10x!tpu.dma_semaphore, #tpu.memory_space<semaphore_mem>> -> memref<1x!tpu.dma_semaphore, #tpu.memory_space<semaphore_mem>>
    %dma_start3A_76 = tpu.memref_squeeze %dma_start3A_75 : memref<1x!tpu.dma_semaphore, #tpu.memory_space<semaphore_mem>> -> memref<!tpu.dma_semaphore, #tpu.memory_space<semaphore_mem>>
    tpu.enqueue_indirect_dma source(%dma_start3A_74 : memref<1000000x64xf32, #tpu.memory_space<hbm>>) target(%dma_start3A_68 : memref<128x64xf32, #tpu.memory_space<vmem>>) offsets(%dma_start3A_71 : memref<128xi32, #tpu.memory_space<vmem>>) semaphore(%dma_start3A_76 : memref<!tpu.dma_semaphore, #tpu.memory_space<semaphore_mem>>)
    %scan3A = arith.constant 0 : i32
    %scan3A_77 = arith.constant 20 : i32
    %scan3A_78 = arith.addi %scan3A, %scan3A_77 : i32
    %scan3A_79 = arith.constant 1 : i32
    scf.for %scan3A_240 = %scan3A to %scan3A_78 step %scan3A_79  : i32 {
      %mul3A_241 = arith.constant 10 : i32
      %mul3A_242 = arith.muli %scan3A_240, %mul3A_241 : i32
      %add3A_243 = arith.constant 0 : i32
      %add3A_244 = arith.addi %mul3A_242, %add3A_243 : i32
      %add3A_245 = arith.constant 5 : i32
      %add3A_246 = arith.addi %add3A_244, %add3A_245 : i32
      %lt3A = arith.constant 200 : i32
      %lt3A_247 = arith.cmpi slt, %add3A_246, %lt3A : i32
      %convert_element_type3A = arith.extui %lt3A_247 : i1 to i32
      %cond3A = arith.constant 0 : i32
      %cond3A_248 = arith.cmpi ne, %convert_element_type3A, %cond3A : i32
      scf.if %cond3A_248 {
        %ge3A = arith.constant 10 : i32
        %ge3A_700 = arith.cmpi sge, %add3A_246, %ge3A : i32
        %convert_element_type3A_701 = arith.extui %ge3A_700 : i1 to i32
        %cond3A_702 = arith.constant 0 : i32
        %cond3A_703 = arith.cmpi ne, %convert_element_type3A_701, %cond3A_702 : i32
        scf.if %cond3A_703 {
          %dma_wait3A_718 = arith.constant 5 : i32
          %dma_wait3A_719 = arith.constant 5 : i32
          %dma_wait3A_720 = arith.constant 0 : i32
          %dma_wait3A_721 = arith.constant 0 : i32
          %dma_wait3A_722 = tpu.memref_slice %arg6[%dma_wait3A_718, %dma_wait3A_720, %dma_wait3A_721] : memref<10x128x64xf32, #tpu.memory_space<vmem>> -> memref<1x128x64xf32, #tpu.memory_space<vmem>>
          %dma_wait3A_723 = tpu.memref_squeeze %dma_wait3A_722 : memref<1x128x64xf32, #tpu.memory_space<vmem>> -> memref<128x64xf32, #tpu.memory_space<vmem>>
          %dma_wait3A_724 = arith.constant 0 : i32
          %dma_wait3A_725 = tpu.memref_slice %arg4[%mul3A_2, %dma_wait3A_724] : memref<819200x128xf32, #tpu.memory_space<hbm>> -> memref<128x64xf32, #tpu.memory_space<hbm>>
          %dma_wait3A_726 = tpu.memref_slice %arg8[%dma_wait3A_719] : memref<10x!tpu.dma_semaphore, #tpu.memory_space<semaphore_mem>> -> memref<1x!tpu.dma_semaphore, #tpu.memory_space<semaphore_mem>>
          %dma_wait3A_727 = tpu.memref_squeeze %dma_wait3A_726 : memref<1x!tpu.dma_semaphore, #tpu.memory_space<semaphore_mem>> -> memref<!tpu.dma_semaphore, #tpu.memory_space<semaphore_mem>>
          %dma_wait3A_728 = arith.constant 0 : i32
          %dma_wait3A_729 = tpu.memref_slice %arg4[%mul3A_2, %dma_wait3A_728] : memref<819200x128xf32, #tpu.memory_space<hbm>> -> memref<128x64xf32, #tpu.memory_space<hbm>>
          %dma_wait3A_730 = arith.constant 0 : i32
          %dma_wait3A_731 = arith.constant 0 : i32
          %dma_wait3A_732 = tpu.memref_slice %arg6[%dma_wait3A_718, %dma_wait3A_730, %dma_wait3A_731] : memref<10x128x64xf32, #tpu.memory_space<vmem>> -> memref<1x128x64xf32, #tpu.memory_space<vmem>>
          %dma_wait3A_733 = tpu.memref_squeeze %dma_wait3A_732 : memref<1x128x64xf32, #tpu.memory_space<vmem>> -> memref<128x64xf32, #tpu.memory_space<vmem>>
          tpu.wait_dma2 semaphore(%dma_wait3A_727 : memref<!tpu.dma_semaphore, #tpu.memory_space<semaphore_mem>>) src(%dma_wait3A_733 : memref<128x64xf32, #tpu.memory_space<vmem>>) dst(%dma_wait3A_729 : memref<128x64xf32, #tpu.memory_space<hbm>>)
        } else {
        }
        %dma_start3A_704 = arith.constant 5 : i32
        %dma_start3A_705 = arith.constant 5 : i32
        %dma_start3A_706 = arith.constant 0 : i32
        %dma_start3A_707 = arith.constant 0 : i32
        %dma_start3A_708 = tpu.memref_slice %arg6[%dma_start3A_704, %dma_start3A_706, %dma_start3A_707] : memref<10x128x64xf32, #tpu.memory_space<vmem>> -> memref<1x128x64xf32, #tpu.memory_space<vmem>>
        %dma_start3A_709 = tpu.memref_squeeze %dma_start3A_708 : memref<1x128x64xf32, #tpu.memory_space<vmem>> -> memref<128x64xf32, #tpu.memory_space<vmem>>
        %dma_start3A_710 = arith.constant 0 : i32
        %dma_start3A_711 = tpu.memref_slice %arg5[%add3A_246, %dma_start3A_710] : memref<200x128xi32, #tpu.memory_space<vmem>> -> memref<1x128xi32, #tpu.memory_space<vmem>>
        %dma_start3A_712 = tpu.memref_squeeze %dma_start3A_711 : memref<1x128xi32, #tpu.memory_space<vmem>> -> memref<128xi32, #tpu.memory_space<vmem>>
        %dma_start3A_713 = arith.constant 0 : i32
        %dma_start3A_714 = arith.constant 0 : i32
        %dma_start3A_715 = tpu.memref_slice %arg3[%dma_start3A_713, %dma_start3A_714] : memref<1000000x64xf32, #tpu.memory_space<hbm>> -> memref<1000000x64xf32, #tpu.memory_space<hbm>>
        %dma_start3A_716 = tpu.memref_slice %arg7[%dma_start3A_705] : memref<10x!tpu.dma_semaphore, #tpu.memory_space<semaphore_mem>> -> memref<1x!tpu.dma_semaphore, #tpu.memory_space<semaphore_mem>>
        %dma_start3A_717 = tpu.memref_squeeze %dma_start3A_716 : memref<1x!tpu.dma_semaphore, #tpu.memory_space<semaphore_mem>> -> memref<!tpu.dma_semaphore, #tpu.memory_space<semaphore_mem>>
        tpu.enqueue_indirect_dma source(%dma_start3A_715 : memref<1000000x64xf32, #tpu.memory_space<hbm>>) target(%dma_start3A_709 : memref<128x64xf32, #tpu.memory_space<vmem>>) offsets(%dma_start3A_712 : memref<128xi32, #tpu.memory_space<vmem>>) semaphore(%dma_start3A_717 : memref<!tpu.dma_semaphore, #tpu.memory_space<semaphore_mem>>)
      } else {
      }
      %dma_wait3A_249 = arith.constant 0 : i32
      %dma_wait3A_250 = arith.constant 0 : i32
      %dma_wait3A_251 = arith.constant 0 : i32
      %dma_wait3A_252 = arith.constant 0 : i32
      %dma_wait3A_253 = tpu.memref_slice %arg6[%dma_wait3A_249, %dma_wait3A_251, %dma_wait3A_252] : memref<10x128x64xf32, #tpu.memory_space<vmem>> -> memref<1x128x64xf32, #tpu.memory_space<vmem>>
      %dma_wait3A_254 = tpu.memref_squeeze %dma_wait3A_253 : memref<1x128x64xf32, #tpu.memory_space<vmem>> -> memref<128x64xf32, #tpu.memory_space<vmem>>
      %dma_wait3A_255 = arith.constant 0 : i32
      %dma_wait3A_256 = arith.constant 0 : i32
      %dma_wait3A_257 = tpu.memref_slice %arg3[%dma_wait3A_255, %dma_wait3A_256] : memref<1000000x64xf32, #tpu.memory_space<hbm>> -> memref<128x64xf32, #tpu.memory_space<hbm>>
      %dma_wait3A_258 = tpu.memref_slice %arg7[%dma_wait3A_250] : memref<10x!tpu.dma_semaphore, #tpu.memory_space<semaphore_mem>> -> memref<1x!tpu.dma_semaphore, #tpu.memory_space<semaphore_mem>>
      %dma_wait3A_259 = tpu.memref_squeeze %dma_wait3A_258 : memref<1x!tpu.dma_semaphore, #tpu.memory_space<semaphore_mem>> -> memref<!tpu.dma_semaphore, #tpu.memory_space<semaphore_mem>>
      %dma_wait3A_260 = arith.constant 0 : i32
      %dma_wait3A_261 = arith.constant 0 : i32
      %dma_wait3A_262 = tpu.memref_slice %arg6[%dma_wait3A_249, %dma_wait3A_260, %dma_wait3A_261] : memref<10x128x64xf32, #tpu.memory_space<vmem>> -> memref<1x128x64xf32, #tpu.memory_space<vmem>>
      %dma_wait3A_263 = tpu.memref_squeeze %dma_wait3A_262 : memref<1x128x64xf32, #tpu.memory_space<vmem>> -> memref<128x64xf32, #tpu.memory_space<vmem>>
      %dma_wait3A_264 = arith.constant 0 : i32
      %dma_wait3A_265 = arith.constant 0 : i32
      %dma_wait3A_266 = tpu.memref_slice %arg3[%dma_wait3A_264, %dma_wait3A_265] : memref<1000000x64xf32, #tpu.memory_space<hbm>> -> memref<128x64xf32, #tpu.memory_space<hbm>>
      tpu.wait_dma2 semaphore(%dma_wait3A_259 : memref<!tpu.dma_semaphore, #tpu.memory_space<semaphore_mem>>) src(%dma_wait3A_266 : memref<128x64xf32, #tpu.memory_space<hbm>>) dst(%dma_wait3A_263 : memref<128x64xf32, #tpu.memory_space<vmem>>)
      %mul3A_267 = arith.constant 128 : i32
      %mul3A_268 = arith.muli %add3A_244, %mul3A_267 : i32
      %add3A_269 = arith.addi %mul3A_2, %mul3A_268 : i32
      %dma_start3A_270 = arith.constant 0 : i32
      %dma_start3A_271 = arith.constant 0 : i32
      %dma_start3A_272 = arith.constant 0 : i32
      %dma_start3A_273 = arith.constant 0 : i32
      %dma_start3A_274 = tpu.memref_slice %arg6[%dma_start3A_270, %dma_start3A_272, %dma_start3A_273] : memref<10x128x64xf32, #tpu.memory_space<vmem>> -> memref<1x128x64xf32, #tpu.memory_space<vmem>>
      %dma_start3A_275 = tpu.memref_squeeze %dma_start3A_274 : memref<1x128x64xf32, #tpu.memory_space<vmem>> -> memref<128x64xf32, #tpu.memory_space<vmem>>
      %dma_start3A_276 = arith.constant 0 : i32
      %dma_start3A_277 = tpu.memref_slice %arg4[%add3A_269, %dma_start3A_276] : memref<819200x128xf32, #tpu.memory_space<hbm>> -> memref<128x64xf32, #tpu.memory_space<hbm>>
      %dma_start3A_278 = tpu.memref_slice %arg8[%dma_start3A_271] : memref<10x!tpu.dma_semaphore, #tpu.memory_space<semaphore_mem>> -> memref<1x!tpu.dma_semaphore, #tpu.memory_space<semaphore_mem>>
      %dma_start3A_279 = tpu.memref_squeeze %dma_start3A_278 : memref<1x!tpu.dma_semaphore, #tpu.memory_space<semaphore_mem>> -> memref<!tpu.dma_semaphore, #tpu.memory_space<semaphore_mem>>
      %dma_start3A_280 = arith.constant 0 : i32
      %dma_start3A_281 = tpu.memref_slice %arg4[%add3A_269, %dma_start3A_280] : memref<819200x128xf32, #tpu.memory_space<hbm>> -> memref<128x64xf32, #tpu.memory_space<hbm>>
      %dma_start3A_282 = arith.constant 0 : i32
      %dma_start3A_283 = arith.constant 0 : i32
      %dma_start3A_284 = tpu.memref_slice %arg6[%dma_start3A_270, %dma_start3A_282, %dma_start3A_283] : memref<10x128x64xf32, #tpu.memory_space<vmem>> -> memref<1x128x64xf32, #tpu.memory_space<vmem>>
      %dma_start3A_285 = tpu.memref_squeeze %dma_start3A_284 : memref<1x128x64xf32, #tpu.memory_space<vmem>> -> memref<128x64xf32, #tpu.memory_space<vmem>>
      tpu.enqueue_dma source(%dma_start3A_285 : memref<128x64xf32, #tpu.memory_space<vmem>>) target(%dma_start3A_281 : memref<128x64xf32, #tpu.memory_space<hbm>>) target_semaphore(%dma_start3A_279 : memref<!tpu.dma_semaphore, #tpu.memory_space<semaphore_mem>>)
      %add3A_286 = arith.constant 1 : i32
      %add3A_287 = arith.addi %mul3A_242, %add3A_286 : i32
      %add3A_288 = arith.constant 5 : i32
      %add3A_289 = arith.addi %add3A_287, %add3A_288 : i32
      %lt3A_290 = arith.constant 200 : i32
      %lt3A_291 = arith.cmpi slt, %add3A_289, %lt3A_290 : i32
      %convert_element_type3A_292 = arith.extui %lt3A_291 : i1 to i32
      %cond3A_293 = arith.constant 0 : i32
      %cond3A_294 = arith.cmpi ne, %convert_element_type3A_292, %cond3A_293 : i32
      scf.if %cond3A_294 {
        %ge3A = arith.constant 10 : i32
        %ge3A_700 = arith.cmpi sge, %add3A_289, %ge3A : i32
        %convert_element_type3A_701 = arith.extui %ge3A_700 : i1 to i32
        %cond3A_702 = arith.constant 0 : i32
        %cond3A_703 = arith.cmpi ne, %convert_element_type3A_701, %cond3A_702 : i32
        scf.if %cond3A_703 {
          %dma_wait3A_718 = arith.constant 6 : i32
          %dma_wait3A_719 = arith.constant 6 : i32
          %dma_wait3A_720 = arith.constant 0 : i32
          %dma_wait3A_721 = arith.constant 0 : i32
          %dma_wait3A_722 = tpu.memref_slice %arg6[%dma_wait3A_718, %dma_wait3A_720, %dma_wait3A_721] : memref<10x128x64xf32, #tpu.memory_space<vmem>> -> memref<1x128x64xf32, #tpu.memory_space<vmem>>
          %dma_wait3A_723 = tpu.memref_squeeze %dma_wait3A_722 : memref<1x128x64xf32, #tpu.memory_space<vmem>> -> memref<128x64xf32, #tpu.memory_space<vmem>>
          %dma_wait3A_724 = arith.constant 0 : i32
          %dma_wait3A_725 = tpu.memref_slice %arg4[%mul3A_2, %dma_wait3A_724] : memref<819200x128xf32, #tpu.memory_space<hbm>> -> memref<128x64xf32, #tpu.memory_space<hbm>>
          %dma_wait3A_726 = tpu.memref_slice %arg8[%dma_wait3A_719] : memref<10x!tpu.dma_semaphore, #tpu.memory_space<semaphore_mem>> -> memref<1x!tpu.dma_semaphore, #tpu.memory_space<semaphore_mem>>
          %dma_wait3A_727 = tpu.memref_squeeze %dma_wait3A_726 : memref<1x!tpu.dma_semaphore, #tpu.memory_space<semaphore_mem>> -> memref<!tpu.dma_semaphore, #tpu.memory_space<semaphore_mem>>
          %dma_wait3A_728 = arith.constant 0 : i32
          %dma_wait3A_729 = tpu.memref_slice %arg4[%mul3A_2, %dma_wait3A_728] : memref<819200x128xf32, #tpu.memory_space<hbm>> -> memref<128x64xf32, #tpu.memory_space<hbm>>
          %dma_wait3A_730 = arith.constant 0 : i32
          %dma_wait3A_731 = arith.constant 0 : i32
          %dma_wait3A_732 = tpu.memref_slice %arg6[%dma_wait3A_718, %dma_wait3A_730, %dma_wait3A_731] : memref<10x128x64xf32, #tpu.memory_space<vmem>> -> memref<1x128x64xf32, #tpu.memory_space<vmem>>
          %dma_wait3A_733 = tpu.memref_squeeze %dma_wait3A_732 : memref<1x128x64xf32, #tpu.memory_space<vmem>> -> memref<128x64xf32, #tpu.memory_space<vmem>>
          tpu.wait_dma2 semaphore(%dma_wait3A_727 : memref<!tpu.dma_semaphore, #tpu.memory_space<semaphore_mem>>) src(%dma_wait3A_733 : memref<128x64xf32, #tpu.memory_space<vmem>>) dst(%dma_wait3A_729 : memref<128x64xf32, #tpu.memory_space<hbm>>)
        } else {
        }
        %dma_start3A_704 = arith.constant 6 : i32
        %dma_start3A_705 = arith.constant 6 : i32
        %dma_start3A_706 = arith.constant 0 : i32
        %dma_start3A_707 = arith.constant 0 : i32
        %dma_start3A_708 = tpu.memref_slice %arg6[%dma_start3A_704, %dma_start3A_706, %dma_start3A_707] : memref<10x128x64xf32, #tpu.memory_space<vmem>> -> memref<1x128x64xf32, #tpu.memory_space<vmem>>
        %dma_start3A_709 = tpu.memref_squeeze %dma_start3A_708 : memref<1x128x64xf32, #tpu.memory_space<vmem>> -> memref<128x64xf32, #tpu.memory_space<vmem>>
        %dma_start3A_710 = arith.constant 0 : i32
        %dma_start3A_711 = tpu.memref_slice %arg5[%add3A_289, %dma_start3A_710] : memref<200x128xi32, #tpu.memory_space<vmem>> -> memref<1x128xi32, #tpu.memory_space<vmem>>
        %dma_start3A_712 = tpu.memref_squeeze %dma_start3A_711 : memref<1x128xi32, #tpu.memory_space<vmem>> -> memref<128xi32, #tpu.memory_space<vmem>>
        %dma_start3A_713 = arith.constant 0 : i32
        %dma_start3A_714 = arith.constant 0 : i32
        %dma_start3A_715 = tpu.memref_slice %arg3[%dma_start3A_713, %dma_start3A_714] : memref<1000000x64xf32, #tpu.memory_space<hbm>> -> memref<1000000x64xf32, #tpu.memory_space<hbm>>
        %dma_start3A_716 = tpu.memref_slice %arg7[%dma_start3A_705] : memref<10x!tpu.dma_semaphore, #tpu.memory_space<semaphore_mem>> -> memref<1x!tpu.dma_semaphore, #tpu.memory_space<semaphore_mem>>
        %dma_start3A_717 = tpu.memref_squeeze %dma_start3A_716 : memref<1x!tpu.dma_semaphore, #tpu.memory_space<semaphore_mem>> -> memref<!tpu.dma_semaphore, #tpu.memory_space<semaphore_mem>>
        tpu.enqueue_indirect_dma source(%dma_start3A_715 : memref<1000000x64xf32, #tpu.memory_space<hbm>>) target(%dma_start3A_709 : memref<128x64xf32, #tpu.memory_space<vmem>>) offsets(%dma_start3A_712 : memref<128xi32, #tpu.memory_space<vmem>>) semaphore(%dma_start3A_717 : memref<!tpu.dma_semaphore, #tpu.memory_space<semaphore_mem>>)
      } else {
      }
      %dma_wait3A_295 = arith.constant 1 : i32
      %dma_wait3A_296 = arith.constant 1 : i32
      %dma_wait3A_297 = arith.constant 0 : i32
      %dma_wait3A_298 = arith.constant 0 : i32
      %dma_wait3A_299 = tpu.memref_slice %arg6[%dma_wait3A_295, %dma_wait3A_297, %dma_wait3A_298] : memref<10x128x64xf32, #tpu.memory_space<vmem>> -> memref<1x128x64xf32, #tpu.memory_space<vmem>>
      %dma_wait3A_300 = tpu.memref_squeeze %dma_wait3A_299 : memref<1x128x64xf32, #tpu.memory_space<vmem>> -> memref<128x64xf32, #tpu.memory_space<vmem>>
      %dma_wait3A_301 = arith.constant 0 : i32
      %dma_wait3A_302 = arith.constant 0 : i32
      %dma_wait3A_303 = tpu.memref_slice %arg3[%dma_wait3A_301, %dma_wait3A_302] : memref<1000000x64xf32, #tpu.memory_space<hbm>> -> memref<128x64xf32, #tpu.memory_space<hbm>>
      %dma_wait3A_304 = tpu.memref_slice %arg7[%dma_wait3A_296] : memref<10x!tpu.dma_semaphore, #tpu.memory_space<semaphore_mem>> -> memref<1x!tpu.dma_semaphore, #tpu.memory_space<semaphore_mem>>
      %dma_wait3A_305 = tpu.memref_squeeze %dma_wait3A_304 : memref<1x!tpu.dma_semaphore, #tpu.memory_space<semaphore_mem>> -> memref<!tpu.dma_semaphore, #tpu.memory_space<semaphore_mem>>
      %dma_wait3A_306 = arith.constant 0 : i32
      %dma_wait3A_307 = arith.constant 0 : i32
      %dma_wait3A_308 = tpu.memref_slice %arg6[%dma_wait3A_295, %dma_wait3A_306, %dma_wait3A_307] : memref<10x128x64xf32, #tpu.memory_space<vmem>> -> memref<1x128x64xf32, #tpu.memory_space<vmem>>
      %dma_wait3A_309 = tpu.memref_squeeze %dma_wait3A_308 : memref<1x128x64xf32, #tpu.memory_space<vmem>> -> memref<128x64xf32, #tpu.memory_space<vmem>>
      %dma_wait3A_310 = arith.constant 0 : i32
      %dma_wait3A_311 = arith.constant 0 : i32
      %dma_wait3A_312 = tpu.memref_slice %arg3[%dma_wait3A_310, %dma_wait3A_311] : memref<1000000x64xf32, #tpu.memory_space<hbm>> -> memref<128x64xf32, #tpu.memory_space<hbm>>
      tpu.wait_dma2 semaphore(%dma_wait3A_305 : memref<!tpu.dma_semaphore, #tpu.memory_space<semaphore_mem>>) src(%dma_wait3A_312 : memref<128x64xf32, #tpu.memory_space<hbm>>) dst(%dma_wait3A_309 : memref<128x64xf32, #tpu.memory_space<vmem>>)
      %mul3A_313 = arith.constant 128 : i32
      %mul3A_314 = arith.muli %add3A_287, %mul3A_313 : i32
      %add3A_315 = arith.addi %mul3A_2, %mul3A_314 : i32
      %dma_start3A_316 = arith.constant 1 : i32
      %dma_start3A_317 = arith.constant 1 : i32
      %dma_start3A_318 = arith.constant 0 : i32
      %dma_start3A_319 = arith.constant 0 : i32
      %dma_start3A_320 = tpu.memref_slice %arg6[%dma_start3A_316, %dma_start3A_318, %dma_start3A_319] : memref<10x128x64xf32, #tpu.memory_space<vmem>> -> memref<1x128x64xf32, #tpu.memory_space<vmem>>
      %dma_start3A_321 = tpu.memref_squeeze %dma_start3A_320 : memref<1x128x64xf32, #tpu.memory_space<vmem>> -> memref<128x64xf32, #tpu.memory_space<vmem>>
      %dma_start3A_322 = arith.constant 0 : i32
      %dma_start3A_323 = tpu.memref_slice %arg4[%add3A_315, %dma_start3A_322] : memref<819200x128xf32, #tpu.memory_space<hbm>> -> memref<128x64xf32, #tpu.memory_space<hbm>>
      %dma_start3A_324 = tpu.memref_slice %arg8[%dma_start3A_317] : memref<10x!tpu.dma_semaphore, #tpu.memory_space<semaphore_mem>> -> memref<1x!tpu.dma_semaphore, #tpu.memory_space<semaphore_mem>>
      %dma_start3A_325 = tpu.memref_squeeze %dma_start3A_324 : memref<1x!tpu.dma_semaphore, #tpu.memory_space<semaphore_mem>> -> memref<!tpu.dma_semaphore, #tpu.memory_space<semaphore_mem>>
      %dma_start3A_326 = arith.constant 0 : i32
      %dma_start3A_327 = tpu.memref_slice %arg4[%add3A_315, %dma_start3A_326] : memref<819200x128xf32, #tpu.memory_space<hbm>> -> memref<128x64xf32, #tpu.memory_space<hbm>>
      %dma_start3A_328 = arith.constant 0 : i32
      %dma_start3A_329 = arith.constant 0 : i32
      %dma_start3A_330 = tpu.memref_slice %arg6[%dma_start3A_316, %dma_start3A_328, %dma_start3A_329] : memref<10x128x64xf32, #tpu.memory_space<vmem>> -> memref<1x128x64xf32, #tpu.memory_space<vmem>>
      %dma_start3A_331 = tpu.memref_squeeze %dma_start3A_330 : memref<1x128x64xf32, #tpu.memory_space<vmem>> -> memref<128x64xf32, #tpu.memory_space<vmem>>
      tpu.enqueue_dma source(%dma_start3A_331 : memref<128x64xf32, #tpu.memory_space<vmem>>) target(%dma_start3A_327 : memref<128x64xf32, #tpu.memory_space<hbm>>) target_semaphore(%dma_start3A_325 : memref<!tpu.dma_semaphore, #tpu.memory_space<semaphore_mem>>)
      %add3A_332 = arith.constant 2 : i32
      %add3A_333 = arith.addi %mul3A_242, %add3A_332 : i32
      %add3A_334 = arith.constant 5 : i32
      %add3A_335 = arith.addi %add3A_333, %add3A_334 : i32
      %lt3A_336 = arith.constant 200 : i32
      %lt3A_337 = arith.cmpi slt, %add3A_335, %lt3A_336 : i32
      %convert_element_type3A_338 = arith.extui %lt3A_337 : i1 to i32
      %cond3A_339 = arith.constant 0 : i32
      %cond3A_340 = arith.cmpi ne, %convert_element_type3A_338, %cond3A_339 : i32
      scf.if %cond3A_340 {
        %ge3A = arith.constant 10 : i32
        %ge3A_700 = arith.cmpi sge, %add3A_335, %ge3A : i32
        %convert_element_type3A_701 = arith.extui %ge3A_700 : i1 to i32
        %cond3A_702 = arith.constant 0 : i32
        %cond3A_703 = arith.cmpi ne, %convert_element_type3A_701, %cond3A_702 : i32
        scf.if %cond3A_703 {
          %dma_wait3A_718 = arith.constant 7 : i32
          %dma_wait3A_719 = arith.constant 7 : i32
          %dma_wait3A_720 = arith.constant 0 : i32
          %dma_wait3A_721 = arith.constant 0 : i32
          %dma_wait3A_722 = tpu.memref_slice %arg6[%dma_wait3A_718, %dma_wait3A_720, %dma_wait3A_721] : memref<10x128x64xf32, #tpu.memory_space<vmem>> -> memref<1x128x64xf32, #tpu.memory_space<vmem>>
          %dma_wait3A_723 = tpu.memref_squeeze %dma_wait3A_722 : memref<1x128x64xf32, #tpu.memory_space<vmem>> -> memref<128x64xf32, #tpu.memory_space<vmem>>
          %dma_wait3A_724 = arith.constant 0 : i32
          %dma_wait3A_725 = tpu.memref_slice %arg4[%mul3A_2, %dma_wait3A_724] : memref<819200x128xf32, #tpu.memory_space<hbm>> -> memref<128x64xf32, #tpu.memory_space<hbm>>
          %dma_wait3A_726 = tpu.memref_slice %arg8[%dma_wait3A_719] : memref<10x!tpu.dma_semaphore, #tpu.memory_space<semaphore_mem>> -> memref<1x!tpu.dma_semaphore, #tpu.memory_space<semaphore_mem>>
          %dma_wait3A_727 = tpu.memref_squeeze %dma_wait3A_726 : memref<1x!tpu.dma_semaphore, #tpu.memory_space<semaphore_mem>> -> memref<!tpu.dma_semaphore, #tpu.memory_space<semaphore_mem>>
          %dma_wait3A_728 = arith.constant 0 : i32
          %dma_wait3A_729 = tpu.memref_slice %arg4[%mul3A_2, %dma_wait3A_728] : memref<819200x128xf32, #tpu.memory_space<hbm>> -> memref<128x64xf32, #tpu.memory_space<hbm>>
          %dma_wait3A_730 = arith.constant 0 : i32
          %dma_wait3A_731 = arith.constant 0 : i32
          %dma_wait3A_732 = tpu.memref_slice %arg6[%dma_wait3A_718, %dma_wait3A_730, %dma_wait3A_731] : memref<10x128x64xf32, #tpu.memory_space<vmem>> -> memref<1x128x64xf32, #tpu.memory_space<vmem>>
          %dma_wait3A_733 = tpu.memref_squeeze %dma_wait3A_732 : memref<1x128x64xf32, #tpu.memory_space<vmem>> -> memref<128x64xf32, #tpu.memory_space<vmem>>
          tpu.wait_dma2 semaphore(%dma_wait3A_727 : memref<!tpu.dma_semaphore, #tpu.memory_space<semaphore_mem>>) src(%dma_wait3A_733 : memref<128x64xf32, #tpu.memory_space<vmem>>) dst(%dma_wait3A_729 : memref<128x64xf32, #tpu.memory_space<hbm>>)
        } else {
        }
        %dma_start3A_704 = arith.constant 7 : i32
        %dma_start3A_705 = arith.constant 7 : i32
        %dma_start3A_706 = arith.constant 0 : i32
        %dma_start3A_707 = arith.constant 0 : i32
        %dma_start3A_708 = tpu.memref_slice %arg6[%dma_start3A_704, %dma_start3A_706, %dma_start3A_707] : memref<10x128x64xf32, #tpu.memory_space<vmem>> -> memref<1x128x64xf32, #tpu.memory_space<vmem>>
        %dma_start3A_709 = tpu.memref_squeeze %dma_start3A_708 : memref<1x128x64xf32, #tpu.memory_space<vmem>> -> memref<128x64xf32, #tpu.memory_space<vmem>>
        %dma_start3A_710 = arith.constant 0 : i32
        %dma_start3A_711 = tpu.memref_slice %arg5[%add3A_335, %dma_start3A_710] : memref<200x128xi32, #tpu.memory_space<vmem>> -> memref<1x128xi32, #tpu.memory_space<vmem>>
        %dma_start3A_712 = tpu.memref_squeeze %dma_start3A_711 : memref<1x128xi32, #tpu.memory_space<vmem>> -> memref<128xi32, #tpu.memory_space<vmem>>
        %dma_start3A_713 = arith.constant 0 : i32
        %dma_start3A_714 = arith.constant 0 : i32
        %dma_start3A_715 = tpu.memref_slice %arg3[%dma_start3A_713, %dma_start3A_714] : memref<1000000x64xf32, #tpu.memory_space<hbm>> -> memref<1000000x64xf32, #tpu.memory_space<hbm>>
        %dma_start3A_716 = tpu.memref_slice %arg7[%dma_start3A_705] : memref<10x!tpu.dma_semaphore, #tpu.memory_space<semaphore_mem>> -> memref<1x!tpu.dma_semaphore, #tpu.memory_space<semaphore_mem>>
        %dma_start3A_717 = tpu.memref_squeeze %dma_start3A_716 : memref<1x!tpu.dma_semaphore, #tpu.memory_space<semaphore_mem>> -> memref<!tpu.dma_semaphore, #tpu.memory_space<semaphore_mem>>
        tpu.enqueue_indirect_dma source(%dma_start3A_715 : memref<1000000x64xf32, #tpu.memory_space<hbm>>) target(%dma_start3A_709 : memref<128x64xf32, #tpu.memory_space<vmem>>) offsets(%dma_start3A_712 : memref<128xi32, #tpu.memory_space<vmem>>) semaphore(%dma_start3A_717 : memref<!tpu.dma_semaphore, #tpu.memory_space<semaphore_mem>>)
      } else {
      }
      %dma_wait3A_341 = arith.constant 2 : i32
      %dma_wait3A_342 = arith.constant 2 : i32
      %dma_wait3A_343 = arith.constant 0 : i32
      %dma_wait3A_344 = arith.constant 0 : i32
      %dma_wait3A_345 = tpu.memref_slice %arg6[%dma_wait3A_341, %dma_wait3A_343, %dma_wait3A_344] : memref<10x128x64xf32, #tpu.memory_space<vmem>> -> memref<1x128x64xf32, #tpu.memory_space<vmem>>
      %dma_wait3A_346 = tpu.memref_squeeze %dma_wait3A_345 : memref<1x128x64xf32, #tpu.memory_space<vmem>> -> memref<128x64xf32, #tpu.memory_space<vmem>>
      %dma_wait3A_347 = arith.constant 0 : i32
      %dma_wait3A_348 = arith.constant 0 : i32
      %dma_wait3A_349 = tpu.memref_slice %arg3[%dma_wait3A_347, %dma_wait3A_348] : memref<1000000x64xf32, #tpu.memory_space<hbm>> -> memref<128x64xf32, #tpu.memory_space<hbm>>
      %dma_wait3A_350 = tpu.memref_slice %arg7[%dma_wait3A_342] : memref<10x!tpu.dma_semaphore, #tpu.memory_space<semaphore_mem>> -> memref<1x!tpu.dma_semaphore, #tpu.memory_space<semaphore_mem>>
      %dma_wait3A_351 = tpu.memref_squeeze %dma_wait3A_350 : memref<1x!tpu.dma_semaphore, #tpu.memory_space<semaphore_mem>> -> memref<!tpu.dma_semaphore, #tpu.memory_space<semaphore_mem>>
      %dma_wait3A_352 = arith.constant 0 : i32
      %dma_wait3A_353 = arith.constant 0 : i32
      %dma_wait3A_354 = tpu.memref_slice %arg6[%dma_wait3A_341, %dma_wait3A_352, %dma_wait3A_353] : memref<10x128x64xf32, #tpu.memory_space<vmem>> -> memref<1x128x64xf32, #tpu.memory_space<vmem>>
      %dma_wait3A_355 = tpu.memref_squeeze %dma_wait3A_354 : memref<1x128x64xf32, #tpu.memory_space<vmem>> -> memref<128x64xf32, #tpu.memory_space<vmem>>
      %dma_wait3A_356 = arith.constant 0 : i32
      %dma_wait3A_357 = arith.constant 0 : i32
      %dma_wait3A_358 = tpu.memref_slice %arg3[%dma_wait3A_356, %dma_wait3A_357] : memref<1000000x64xf32, #tpu.memory_space<hbm>> -> memref<128x64xf32, #tpu.memory_space<hbm>>
      tpu.wait_dma2 semaphore(%dma_wait3A_351 : memref<!tpu.dma_semaphore, #tpu.memory_space<semaphore_mem>>) src(%dma_wait3A_358 : memref<128x64xf32, #tpu.memory_space<hbm>>) dst(%dma_wait3A_355 : memref<128x64xf32, #tpu.memory_space<vmem>>)
      %mul3A_359 = arith.constant 128 : i32
      %mul3A_360 = arith.muli %add3A_333, %mul3A_359 : i32
      %add3A_361 = arith.addi %mul3A_2, %mul3A_360 : i32
      %dma_start3A_362 = arith.constant 2 : i32
      %dma_start3A_363 = arith.constant 2 : i32
      %dma_start3A_364 = arith.constant 0 : i32
      %dma_start3A_365 = arith.constant 0 : i32
      %dma_start3A_366 = tpu.memref_slice %arg6[%dma_start3A_362, %dma_start3A_364, %dma_start3A_365] : memref<10x128x64xf32, #tpu.memory_space<vmem>> -> memref<1x128x64xf32, #tpu.memory_space<vmem>>
      %dma_start3A_367 = tpu.memref_squeeze %dma_start3A_366 : memref<1x128x64xf32, #tpu.memory_space<vmem>> -> memref<128x64xf32, #tpu.memory_space<vmem>>
      %dma_start3A_368 = arith.constant 0 : i32
      %dma_start3A_369 = tpu.memref_slice %arg4[%add3A_361, %dma_start3A_368] : memref<819200x128xf32, #tpu.memory_space<hbm>> -> memref<128x64xf32, #tpu.memory_space<hbm>>
      %dma_start3A_370 = tpu.memref_slice %arg8[%dma_start3A_363] : memref<10x!tpu.dma_semaphore, #tpu.memory_space<semaphore_mem>> -> memref<1x!tpu.dma_semaphore, #tpu.memory_space<semaphore_mem>>
      %dma_start3A_371 = tpu.memref_squeeze %dma_start3A_370 : memref<1x!tpu.dma_semaphore, #tpu.memory_space<semaphore_mem>> -> memref<!tpu.dma_semaphore, #tpu.memory_space<semaphore_mem>>
      %dma_start3A_372 = arith.constant 0 : i32
      %dma_start3A_373 = tpu.memref_slice %arg4[%add3A_361, %dma_start3A_372] : memref<819200x128xf32, #tpu.memory_space<hbm>> -> memref<128x64xf32, #tpu.memory_space<hbm>>
      %dma_start3A_374 = arith.constant 0 : i32
      %dma_start3A_375 = arith.constant 0 : i32
      %dma_start3A_376 = tpu.memref_slice %arg6[%dma_start3A_362, %dma_start3A_374, %dma_start3A_375] : memref<10x128x64xf32, #tpu.memory_space<vmem>> -> memref<1x128x64xf32, #tpu.memory_space<vmem>>
      %dma_start3A_377 = tpu.memref_squeeze %dma_start3A_376 : memref<1x128x64xf32, #tpu.memory_space<vmem>> -> memref<128x64xf32, #tpu.memory_space<vmem>>
      tpu.enqueue_dma source(%dma_start3A_377 : memref<128x64xf32, #tpu.memory_space<vmem>>) target(%dma_start3A_373 : memref<128x64xf32, #tpu.memory_space<hbm>>) target_semaphore(%dma_start3A_371 : memref<!tpu.dma_semaphore, #tpu.memory_space<semaphore_mem>>)
      %add3A_378 = arith.constant 3 : i32
      %add3A_379 = arith.addi %mul3A_242, %add3A_378 : i32
      %add3A_380 = arith.constant 5 : i32
      %add3A_381 = arith.addi %add3A_379, %add3A_380 : i32
      %lt3A_382 = arith.constant 200 : i32
      %lt3A_383 = arith.cmpi slt, %add3A_381, %lt3A_382 : i32
      %convert_element_type3A_384 = arith.extui %lt3A_383 : i1 to i32
      %cond3A_385 = arith.constant 0 : i32
      %cond3A_386 = arith.cmpi ne, %convert_element_type3A_384, %cond3A_385 : i32
      scf.if %cond3A_386 {
        %ge3A = arith.constant 10 : i32
        %ge3A_700 = arith.cmpi sge, %add3A_381, %ge3A : i32
        %convert_element_type3A_701 = arith.extui %ge3A_700 : i1 to i32
        %cond3A_702 = arith.constant 0 : i32
        %cond3A_703 = arith.cmpi ne, %convert_element_type3A_701, %cond3A_702 : i32
        scf.if %cond3A_703 {
          %dma_wait3A_718 = arith.constant 8 : i32
          %dma_wait3A_719 = arith.constant 8 : i32
          %dma_wait3A_720 = arith.constant 0 : i32
          %dma_wait3A_721 = arith.constant 0 : i32
          %dma_wait3A_722 = tpu.memref_slice %arg6[%dma_wait3A_718, %dma_wait3A_720, %dma_wait3A_721] : memref<10x128x64xf32, #tpu.memory_space<vmem>> -> memref<1x128x64xf32, #tpu.memory_space<vmem>>
          %dma_wait3A_723 = tpu.memref_squeeze %dma_wait3A_722 : memref<1x128x64xf32, #tpu.memory_space<vmem>> -> memref<128x64xf32, #tpu.memory_space<vmem>>
          %dma_wait3A_724 = arith.constant 0 : i32
          %dma_wait3A_725 = tpu.memref_slice %arg4[%mul3A_2, %dma_wait3A_724] : memref<819200x128xf32, #tpu.memory_space<hbm>> -> memref<128x64xf32, #tpu.memory_space<hbm>>
          %dma_wait3A_726 = tpu.memref_slice %arg8[%dma_wait3A_719] : memref<10x!tpu.dma_semaphore, #tpu.memory_space<semaphore_mem>> -> memref<1x!tpu.dma_semaphore, #tpu.memory_space<semaphore_mem>>
          %dma_wait3A_727 = tpu.memref_squeeze %dma_wait3A_726 : memref<1x!tpu.dma_semaphore, #tpu.memory_space<semaphore_mem>> -> memref<!tpu.dma_semaphore, #tpu.memory_space<semaphore_mem>>
          %dma_wait3A_728 = arith.constant 0 : i32
          %dma_wait3A_729 = tpu.memref_slice %arg4[%mul3A_2, %dma_wait3A_728] : memref<819200x128xf32, #tpu.memory_space<hbm>> -> memref<128x64xf32, #tpu.memory_space<hbm>>
          %dma_wait3A_730 = arith.constant 0 : i32
          %dma_wait3A_731 = arith.constant 0 : i32
          %dma_wait3A_732 = tpu.memref_slice %arg6[%dma_wait3A_718, %dma_wait3A_730, %dma_wait3A_731] : memref<10x128x64xf32, #tpu.memory_space<vmem>> -> memref<1x128x64xf32, #tpu.memory_space<vmem>>
          %dma_wait3A_733 = tpu.memref_squeeze %dma_wait3A_732 : memref<1x128x64xf32, #tpu.memory_space<vmem>> -> memref<128x64xf32, #tpu.memory_space<vmem>>
          tpu.wait_dma2 semaphore(%dma_wait3A_727 : memref<!tpu.dma_semaphore, #tpu.memory_space<semaphore_mem>>) src(%dma_wait3A_733 : memref<128x64xf32, #tpu.memory_space<vmem>>) dst(%dma_wait3A_729 : memref<128x64xf32, #tpu.memory_space<hbm>>)
        } else {
        }
        %dma_start3A_704 = arith.constant 8 : i32
        %dma_start3A_705 = arith.constant 8 : i32
        %dma_start3A_706 = arith.constant 0 : i32
        %dma_start3A_707 = arith.constant 0 : i32
        %dma_start3A_708 = tpu.memref_slice %arg6[%dma_start3A_704, %dma_start3A_706, %dma_start3A_707] : memref<10x128x64xf32, #tpu.memory_space<vmem>> -> memref<1x128x64xf32, #tpu.memory_space<vmem>>
        %dma_start3A_709 = tpu.memref_squeeze %dma_start3A_708 : memref<1x128x64xf32, #tpu.memory_space<vmem>> -> memref<128x64xf32, #tpu.memory_space<vmem>>
        %dma_start3A_710 = arith.constant 0 : i32
        %dma_start3A_711 = tpu.memref_slice %arg5[%add3A_381, %dma_start3A_710] : memref<200x128xi32, #tpu.memory_space<vmem>> -> memref<1x128xi32, #tpu.memory_space<vmem>>
        %dma_start3A_712 = tpu.memref_squeeze %dma_start3A_711 : memref<1x128xi32, #tpu.memory_space<vmem>> -> memref<128xi32, #tpu.memory_space<vmem>>
        %dma_start3A_713 = arith.constant 0 : i32
        %dma_start3A_714 = arith.constant 0 : i32
        %dma_start3A_715 = tpu.memref_slice %arg3[%dma_start3A_713, %dma_start3A_714] : memref<1000000x64xf32, #tpu.memory_space<hbm>> -> memref<1000000x64xf32, #tpu.memory_space<hbm>>
        %dma_start3A_716 = tpu.memref_slice %arg7[%dma_start3A_705] : memref<10x!tpu.dma_semaphore, #tpu.memory_space<semaphore_mem>> -> memref<1x!tpu.dma_semaphore, #tpu.memory_space<semaphore_mem>>
        %dma_start3A_717 = tpu.memref_squeeze %dma_start3A_716 : memref<1x!tpu.dma_semaphore, #tpu.memory_space<semaphore_mem>> -> memref<!tpu.dma_semaphore, #tpu.memory_space<semaphore_mem>>
        tpu.enqueue_indirect_dma source(%dma_start3A_715 : memref<1000000x64xf32, #tpu.memory_space<hbm>>) target(%dma_start3A_709 : memref<128x64xf32, #tpu.memory_space<vmem>>) offsets(%dma_start3A_712 : memref<128xi32, #tpu.memory_space<vmem>>) semaphore(%dma_start3A_717 : memref<!tpu.dma_semaphore, #tpu.memory_space<semaphore_mem>>)
      } else {
      }
      %dma_wait3A_387 = arith.constant 3 : i32
      %dma_wait3A_388 = arith.constant 3 : i32
      %dma_wait3A_389 = arith.constant 0 : i32
      %dma_wait3A_390 = arith.constant 0 : i32
      %dma_wait3A_391 = tpu.memref_slice %arg6[%dma_wait3A_387, %dma_wait3A_389, %dma_wait3A_390] : memref<10x128x64xf32, #tpu.memory_space<vmem>> -> memref<1x128x64xf32, #tpu.memory_space<vmem>>
      %dma_wait3A_392 = tpu.memref_squeeze %dma_wait3A_391 : memref<1x128x64xf32, #tpu.memory_space<vmem>> -> memref<128x64xf32, #tpu.memory_space<vmem>>
      %dma_wait3A_393 = arith.constant 0 : i32
      %dma_wait3A_394 = arith.constant 0 : i32
      %dma_wait3A_395 = tpu.memref_slice %arg3[%dma_wait3A_393, %dma_wait3A_394] : memref<1000000x64xf32, #tpu.memory_space<hbm>> -> memref<128x64xf32, #tpu.memory_space<hbm>>
      %dma_wait3A_396 = tpu.memref_slice %arg7[%dma_wait3A_388] : memref<10x!tpu.dma_semaphore, #tpu.memory_space<semaphore_mem>> -> memref<1x!tpu.dma_semaphore, #tpu.memory_space<semaphore_mem>>
      %dma_wait3A_397 = tpu.memref_squeeze %dma_wait3A_396 : memref<1x!tpu.dma_semaphore, #tpu.memory_space<semaphore_mem>> -> memref<!tpu.dma_semaphore, #tpu.memory_space<semaphore_mem>>
      %dma_wait3A_398 = arith.constant 0 : i32
      %dma_wait3A_399 = arith.constant 0 : i32
      %dma_wait3A_400 = tpu.memref_slice %arg6[%dma_wait3A_387, %dma_wait3A_398, %dma_wait3A_399] : memref<10x128x64xf32, #tpu.memory_space<vmem>> -> memref<1x128x64xf32, #tpu.memory_space<vmem>>
      %dma_wait3A_401 = tpu.memref_squeeze %dma_wait3A_400 : memref<1x128x64xf32, #tpu.memory_space<vmem>> -> memref<128x64xf32, #tpu.memory_space<vmem>>
      %dma_wait3A_402 = arith.constant 0 : i32
      %dma_wait3A_403 = arith.constant 0 : i32
      %dma_wait3A_404 = tpu.memref_slice %arg3[%dma_wait3A_402, %dma_wait3A_403] : memref<1000000x64xf32, #tpu.memory_space<hbm>> -> memref<128x64xf32, #tpu.memory_space<hbm>>
      tpu.wait_dma2 semaphore(%dma_wait3A_397 : memref<!tpu.dma_semaphore, #tpu.memory_space<semaphore_mem>>) src(%dma_wait3A_404 : memref<128x64xf32, #tpu.memory_space<hbm>>) dst(%dma_wait3A_401 : memref<128x64xf32, #tpu.memory_space<vmem>>)
      %mul3A_405 = arith.constant 128 : i32
      %mul3A_406 = arith.muli %add3A_379, %mul3A_405 : i32
      %add3A_407 = arith.addi %mul3A_2, %mul3A_406 : i32
      %dma_start3A_408 = arith.constant 3 : i32
      %dma_start3A_409 = arith.constant 3 : i32
      %dma_start3A_410 = arith.constant 0 : i32
      %dma_start3A_411 = arith.constant 0 : i32
      %dma_start3A_412 = tpu.memref_slice %arg6[%dma_start3A_408, %dma_start3A_410, %dma_start3A_411] : memref<10x128x64xf32, #tpu.memory_space<vmem>> -> memref<1x128x64xf32, #tpu.memory_space<vmem>>
      %dma_start3A_413 = tpu.memref_squeeze %dma_start3A_412 : memref<1x128x64xf32, #tpu.memory_space<vmem>> -> memref<128x64xf32, #tpu.memory_space<vmem>>
      %dma_start3A_414 = arith.constant 0 : i32
      %dma_start3A_415 = tpu.memref_slice %arg4[%add3A_407, %dma_start3A_414] : memref<819200x128xf32, #tpu.memory_space<hbm>> -> memref<128x64xf32, #tpu.memory_space<hbm>>
      %dma_start3A_416 = tpu.memref_slice %arg8[%dma_start3A_409] : memref<10x!tpu.dma_semaphore, #tpu.memory_space<semaphore_mem>> -> memref<1x!tpu.dma_semaphore, #tpu.memory_space<semaphore_mem>>
      %dma_start3A_417 = tpu.memref_squeeze %dma_start3A_416 : memref<1x!tpu.dma_semaphore, #tpu.memory_space<semaphore_mem>> -> memref<!tpu.dma_semaphore, #tpu.memory_space<semaphore_mem>>
      %dma_start3A_418 = arith.constant 0 : i32
      %dma_start3A_419 = tpu.memref_slice %arg4[%add3A_407, %dma_start3A_418] : memref<819200x128xf32, #tpu.memory_space<hbm>> -> memref<128x64xf32, #tpu.memory_space<hbm>>
      %dma_start3A_420 = arith.constant 0 : i32
      %dma_start3A_421 = arith.constant 0 : i32
      %dma_start3A_422 = tpu.memref_slice %arg6[%dma_start3A_408, %dma_start3A_420, %dma_start3A_421] : memref<10x128x64xf32, #tpu.memory_space<vmem>> -> memref<1x128x64xf32, #tpu.memory_space<vmem>>
      %dma_start3A_423 = tpu.memref_squeeze %dma_start3A_422 : memref<1x128x64xf32, #tpu.memory_space<vmem>> -> memref<128x64xf32, #tpu.memory_space<vmem>>
      tpu.enqueue_dma source(%dma_start3A_423 : memref<128x64xf32, #tpu.memory_space<vmem>>) target(%dma_start3A_419 : memref<128x64xf32, #tpu.memory_space<hbm>>) target_semaphore(%dma_start3A_417 : memref<!tpu.dma_semaphore, #tpu.memory_space<semaphore_mem>>)
      %add3A_424 = arith.constant 4 : i32
      %add3A_425 = arith.addi %mul3A_242, %add3A_424 : i32
      %add3A_426 = arith.constant 5 : i32
      %add3A_427 = arith.addi %add3A_425, %add3A_426 : i32
      %lt3A_428 = arith.constant 200 : i32
      %lt3A_429 = arith.cmpi slt, %add3A_427, %lt3A_428 : i32
      %convert_element_type3A_430 = arith.extui %lt3A_429 : i1 to i32
      %cond3A_431 = arith.constant 0 : i32
      %cond3A_432 = arith.cmpi ne, %convert_element_type3A_430, %cond3A_431 : i32
      scf.if %cond3A_432 {
        %ge3A = arith.constant 10 : i32
        %ge3A_700 = arith.cmpi sge, %add3A_427, %ge3A : i32
        %convert_element_type3A_701 = arith.extui %ge3A_700 : i1 to i32
        %cond3A_702 = arith.constant 0 : i32
        %cond3A_703 = arith.cmpi ne, %convert_element_type3A_701, %cond3A_702 : i32
        scf.if %cond3A_703 {
          %dma_wait3A_718 = arith.constant 9 : i32
          %dma_wait3A_719 = arith.constant 9 : i32
          %dma_wait3A_720 = arith.constant 0 : i32
          %dma_wait3A_721 = arith.constant 0 : i32
          %dma_wait3A_722 = tpu.memref_slice %arg6[%dma_wait3A_718, %dma_wait3A_720, %dma_wait3A_721] : memref<10x128x64xf32, #tpu.memory_space<vmem>> -> memref<1x128x64xf32, #tpu.memory_space<vmem>>
          %dma_wait3A_723 = tpu.memref_squeeze %dma_wait3A_722 : memref<1x128x64xf32, #tpu.memory_space<vmem>> -> memref<128x64xf32, #tpu.memory_space<vmem>>
          %dma_wait3A_724 = arith.constant 0 : i32
          %dma_wait3A_725 = tpu.memref_slice %arg4[%mul3A_2, %dma_wait3A_724] : memref<819200x128xf32, #tpu.memory_space<hbm>> -> memref<128x64xf32, #tpu.memory_space<hbm>>
          %dma_wait3A_726 = tpu.memref_slice %arg8[%dma_wait3A_719] : memref<10x!tpu.dma_semaphore, #tpu.memory_space<semaphore_mem>> -> memref<1x!tpu.dma_semaphore, #tpu.memory_space<semaphore_mem>>
          %dma_wait3A_727 = tpu.memref_squeeze %dma_wait3A_726 : memref<1x!tpu.dma_semaphore, #tpu.memory_space<semaphore_mem>> -> memref<!tpu.dma_semaphore, #tpu.memory_space<semaphore_mem>>
          %dma_wait3A_728 = arith.constant 0 : i32
          %dma_wait3A_729 = tpu.memref_slice %arg4[%mul3A_2, %dma_wait3A_728] : memref<819200x128xf32, #tpu.memory_space<hbm>> -> memref<128x64xf32, #tpu.memory_space<hbm>>
          %dma_wait3A_730 = arith.constant 0 : i32
          %dma_wait3A_731 = arith.constant 0 : i32
          %dma_wait3A_732 = tpu.memref_slice %arg6[%dma_wait3A_718, %dma_wait3A_730, %dma_wait3A_731] : memref<10x128x64xf32, #tpu.memory_space<vmem>> -> memref<1x128x64xf32, #tpu.memory_space<vmem>>
          %dma_wait3A_733 = tpu.memref_squeeze %dma_wait3A_732 : memref<1x128x64xf32, #tpu.memory_space<vmem>> -> memref<128x64xf32, #tpu.memory_space<vmem>>
          tpu.wait_dma2 semaphore(%dma_wait3A_727 : memref<!tpu.dma_semaphore, #tpu.memory_space<semaphore_mem>>) src(%dma_wait3A_733 : memref<128x64xf32, #tpu.memory_space<vmem>>) dst(%dma_wait3A_729 : memref<128x64xf32, #tpu.memory_space<hbm>>)
        } else {
        }
        %dma_start3A_704 = arith.constant 9 : i32
        %dma_start3A_705 = arith.constant 9 : i32
        %dma_start3A_706 = arith.constant 0 : i32
        %dma_start3A_707 = arith.constant 0 : i32
        %dma_start3A_708 = tpu.memref_slice %arg6[%dma_start3A_704, %dma_start3A_706, %dma_start3A_707] : memref<10x128x64xf32, #tpu.memory_space<vmem>> -> memref<1x128x64xf32, #tpu.memory_space<vmem>>
        %dma_start3A_709 = tpu.memref_squeeze %dma_start3A_708 : memref<1x128x64xf32, #tpu.memory_space<vmem>> -> memref<128x64xf32, #tpu.memory_space<vmem>>
        %dma_start3A_710 = arith.constant 0 : i32
        %dma_start3A_711 = tpu.memref_slice %arg5[%add3A_427, %dma_start3A_710] : memref<200x128xi32, #tpu.memory_space<vmem>> -> memref<1x128xi32, #tpu.memory_space<vmem>>
        %dma_start3A_712 = tpu.memref_squeeze %dma_start3A_711 : memref<1x128xi32, #tpu.memory_space<vmem>> -> memref<128xi32, #tpu.memory_space<vmem>>
        %dma_start3A_713 = arith.constant 0 : i32
        %dma_start3A_714 = arith.constant 0 : i32
        %dma_start3A_715 = tpu.memref_slice %arg3[%dma_start3A_713, %dma_start3A_714] : memref<1000000x64xf32, #tpu.memory_space<hbm>> -> memref<1000000x64xf32, #tpu.memory_space<hbm>>
        %dma_start3A_716 = tpu.memref_slice %arg7[%dma_start3A_705] : memref<10x!tpu.dma_semaphore, #tpu.memory_space<semaphore_mem>> -> memref<1x!tpu.dma_semaphore, #tpu.memory_space<semaphore_mem>>
        %dma_start3A_717 = tpu.memref_squeeze %dma_start3A_716 : memref<1x!tpu.dma_semaphore, #tpu.memory_space<semaphore_mem>> -> memref<!tpu.dma_semaphore, #tpu.memory_space<semaphore_mem>>
        tpu.enqueue_indirect_dma source(%dma_start3A_715 : memref<1000000x64xf32, #tpu.memory_space<hbm>>) target(%dma_start3A_709 : memref<128x64xf32, #tpu.memory_space<vmem>>) offsets(%dma_start3A_712 : memref<128xi32, #tpu.memory_space<vmem>>) semaphore(%dma_start3A_717 : memref<!tpu.dma_semaphore, #tpu.memory_space<semaphore_mem>>)
      } else {
      }
      %dma_wait3A_433 = arith.constant 4 : i32
      %dma_wait3A_434 = arith.constant 4 : i32
      %dma_wait3A_435 = arith.constant 0 : i32
      %dma_wait3A_436 = arith.constant 0 : i32
      %dma_wait3A_437 = tpu.memref_slice %arg6[%dma_wait3A_433, %dma_wait3A_435, %dma_wait3A_436] : memref<10x128x64xf32, #tpu.memory_space<vmem>> -> memref<1x128x64xf32, #tpu.memory_space<vmem>>
      %dma_wait3A_438 = tpu.memref_squeeze %dma_wait3A_437 : memref<1x128x64xf32, #tpu.memory_space<vmem>> -> memref<128x64xf32, #tpu.memory_space<vmem>>
      %dma_wait3A_439 = arith.constant 0 : i32
      %dma_wait3A_440 = arith.constant 0 : i32
      %dma_wait3A_441 = tpu.memref_slice %arg3[%dma_wait3A_439, %dma_wait3A_440] : memref<1000000x64xf32, #tpu.memory_space<hbm>> -> memref<128x64xf32, #tpu.memory_space<hbm>>
      %dma_wait3A_442 = tpu.memref_slice %arg7[%dma_wait3A_434] : memref<10x!tpu.dma_semaphore, #tpu.memory_space<semaphore_mem>> -> memref<1x!tpu.dma_semaphore, #tpu.memory_space<semaphore_mem>>
      %dma_wait3A_443 = tpu.memref_squeeze %dma_wait3A_442 : memref<1x!tpu.dma_semaphore, #tpu.memory_space<semaphore_mem>> -> memref<!tpu.dma_semaphore, #tpu.memory_space<semaphore_mem>>
      %dma_wait3A_444 = arith.constant 0 : i32
      %dma_wait3A_445 = arith.constant 0 : i32
      %dma_wait3A_446 = tpu.memref_slice %arg6[%dma_wait3A_433, %dma_wait3A_444, %dma_wait3A_445] : memref<10x128x64xf32, #tpu.memory_space<vmem>> -> memref<1x128x64xf32, #tpu.memory_space<vmem>>
      %dma_wait3A_447 = tpu.memref_squeeze %dma_wait3A_446 : memref<1x128x64xf32, #tpu.memory_space<vmem>> -> memref<128x64xf32, #tpu.memory_space<vmem>>
      %dma_wait3A_448 = arith.constant 0 : i32
      %dma_wait3A_449 = arith.constant 0 : i32
      %dma_wait3A_450 = tpu.memref_slice %arg3[%dma_wait3A_448, %dma_wait3A_449] : memref<1000000x64xf32, #tpu.memory_space<hbm>> -> memref<128x64xf32, #tpu.memory_space<hbm>>
      tpu.wait_dma2 semaphore(%dma_wait3A_443 : memref<!tpu.dma_semaphore, #tpu.memory_space<semaphore_mem>>) src(%dma_wait3A_450 : memref<128x64xf32, #tpu.memory_space<hbm>>) dst(%dma_wait3A_447 : memref<128x64xf32, #tpu.memory_space<vmem>>)
      %mul3A_451 = arith.constant 128 : i32
      %mul3A_452 = arith.muli %add3A_425, %mul3A_451 : i32
      %add3A_453 = arith.addi %mul3A_2, %mul3A_452 : i32
      %dma_start3A_454 = arith.constant 4 : i32
      %dma_start3A_455 = arith.constant 4 : i32
      %dma_start3A_456 = arith.constant 0 : i32
      %dma_start3A_457 = arith.constant 0 : i32
      %dma_start3A_458 = tpu.memref_slice %arg6[%dma_start3A_454, %dma_start3A_456, %dma_start3A_457] : memref<10x128x64xf32, #tpu.memory_space<vmem>> -> memref<1x128x64xf32, #tpu.memory_space<vmem>>
      %dma_start3A_459 = tpu.memref_squeeze %dma_start3A_458 : memref<1x128x64xf32, #tpu.memory_space<vmem>> -> memref<128x64xf32, #tpu.memory_space<vmem>>
      %dma_start3A_460 = arith.constant 0 : i32
      %dma_start3A_461 = tpu.memref_slice %arg4[%add3A_453, %dma_start3A_460] : memref<819200x128xf32, #tpu.memory_space<hbm>> -> memref<128x64xf32, #tpu.memory_space<hbm>>
      %dma_start3A_462 = tpu.memref_slice %arg8[%dma_start3A_455] : memref<10x!tpu.dma_semaphore, #tpu.memory_space<semaphore_mem>> -> memref<1x!tpu.dma_semaphore, #tpu.memory_space<semaphore_mem>>
      %dma_start3A_463 = tpu.memref_squeeze %dma_start3A_462 : memref<1x!tpu.dma_semaphore, #tpu.memory_space<semaphore_mem>> -> memref<!tpu.dma_semaphore, #tpu.memory_space<semaphore_mem>>
      %dma_start3A_464 = arith.constant 0 : i32
      %dma_start3A_465 = tpu.memref_slice %arg4[%add3A_453, %dma_start3A_464] : memref<819200x128xf32, #tpu.memory_space<hbm>> -> memref<128x64xf32, #tpu.memory_space<hbm>>
      %dma_start3A_466 = arith.constant 0 : i32
      %dma_start3A_467 = arith.constant 0 : i32
      %dma_start3A_468 = tpu.memref_slice %arg6[%dma_start3A_454, %dma_start3A_466, %dma_start3A_467] : memref<10x128x64xf32, #tpu.memory_space<vmem>> -> memref<1x128x64xf32, #tpu.memory_space<vmem>>
      %dma_start3A_469 = tpu.memref_squeeze %dma_start3A_468 : memref<1x128x64xf32, #tpu.memory_space<vmem>> -> memref<128x64xf32, #tpu.memory_space<vmem>>
      tpu.enqueue_dma source(%dma_start3A_469 : memref<128x64xf32, #tpu.memory_space<vmem>>) target(%dma_start3A_465 : memref<128x64xf32, #tpu.memory_space<hbm>>) target_semaphore(%dma_start3A_463 : memref<!tpu.dma_semaphore, #tpu.memory_space<semaphore_mem>>)
      %add3A_470 = arith.constant 5 : i32
      %add3A_471 = arith.addi %mul3A_242, %add3A_470 : i32
      %add3A_472 = arith.constant 5 : i32
      %add3A_473 = arith.addi %add3A_471, %add3A_472 : i32
      %lt3A_474 = arith.constant 200 : i32
      %lt3A_475 = arith.cmpi slt, %add3A_473, %lt3A_474 : i32
      %convert_element_type3A_476 = arith.extui %lt3A_475 : i1 to i32
      %cond3A_477 = arith.constant 0 : i32
      %cond3A_478 = arith.cmpi ne, %convert_element_type3A_476, %cond3A_477 : i32
      scf.if %cond3A_478 {
        %ge3A = arith.constant 10 : i32
        %ge3A_700 = arith.cmpi sge, %add3A_473, %ge3A : i32
        %convert_element_type3A_701 = arith.extui %ge3A_700 : i1 to i32
        %cond3A_702 = arith.constant 0 : i32
        %cond3A_703 = arith.cmpi ne, %convert_element_type3A_701, %cond3A_702 : i32
        scf.if %cond3A_703 {
          %dma_wait3A_718 = arith.constant 0 : i32
          %dma_wait3A_719 = arith.constant 0 : i32
          %dma_wait3A_720 = arith.constant 0 : i32
          %dma_wait3A_721 = arith.constant 0 : i32
          %dma_wait3A_722 = tpu.memref_slice %arg6[%dma_wait3A_718, %dma_wait3A_720, %dma_wait3A_721] : memref<10x128x64xf32, #tpu.memory_space<vmem>> -> memref<1x128x64xf32, #tpu.memory_space<vmem>>
          %dma_wait3A_723 = tpu.memref_squeeze %dma_wait3A_722 : memref<1x128x64xf32, #tpu.memory_space<vmem>> -> memref<128x64xf32, #tpu.memory_space<vmem>>
          %dma_wait3A_724 = arith.constant 0 : i32
          %dma_wait3A_725 = tpu.memref_slice %arg4[%mul3A_2, %dma_wait3A_724] : memref<819200x128xf32, #tpu.memory_space<hbm>> -> memref<128x64xf32, #tpu.memory_space<hbm>>
          %dma_wait3A_726 = tpu.memref_slice %arg8[%dma_wait3A_719] : memref<10x!tpu.dma_semaphore, #tpu.memory_space<semaphore_mem>> -> memref<1x!tpu.dma_semaphore, #tpu.memory_space<semaphore_mem>>
          %dma_wait3A_727 = tpu.memref_squeeze %dma_wait3A_726 : memref<1x!tpu.dma_semaphore, #tpu.memory_space<semaphore_mem>> -> memref<!tpu.dma_semaphore, #tpu.memory_space<semaphore_mem>>
          %dma_wait3A_728 = arith.constant 0 : i32
          %dma_wait3A_729 = tpu.memref_slice %arg4[%mul3A_2, %dma_wait3A_728] : memref<819200x128xf32, #tpu.memory_space<hbm>> -> memref<128x64xf32, #tpu.memory_space<hbm>>
          %dma_wait3A_730 = arith.constant 0 : i32
          %dma_wait3A_731 = arith.constant 0 : i32
          %dma_wait3A_732 = tpu.memref_slice %arg6[%dma_wait3A_718, %dma_wait3A_730, %dma_wait3A_731] : memref<10x128x64xf32, #tpu.memory_space<vmem>> -> memref<1x128x64xf32, #tpu.memory_space<vmem>>
          %dma_wait3A_733 = tpu.memref_squeeze %dma_wait3A_732 : memref<1x128x64xf32, #tpu.memory_space<vmem>> -> memref<128x64xf32, #tpu.memory_space<vmem>>
          tpu.wait_dma2 semaphore(%dma_wait3A_727 : memref<!tpu.dma_semaphore, #tpu.memory_space<semaphore_mem>>) src(%dma_wait3A_733 : memref<128x64xf32, #tpu.memory_space<vmem>>) dst(%dma_wait3A_729 : memref<128x64xf32, #tpu.memory_space<hbm>>)
        } else {
        }
        %dma_start3A_704 = arith.constant 0 : i32
        %dma_start3A_705 = arith.constant 0 : i32
        %dma_start3A_706 = arith.constant 0 : i32
        %dma_start3A_707 = arith.constant 0 : i32
        %dma_start3A_708 = tpu.memref_slice %arg6[%dma_start3A_704, %dma_start3A_706, %dma_start3A_707] : memref<10x128x64xf32, #tpu.memory_space<vmem>> -> memref<1x128x64xf32, #tpu.memory_space<vmem>>
        %dma_start3A_709 = tpu.memref_squeeze %dma_start3A_708 : memref<1x128x64xf32, #tpu.memory_space<vmem>> -> memref<128x64xf32, #tpu.memory_space<vmem>>
        %dma_start3A_710 = arith.constant 0 : i32
        %dma_start3A_711 = tpu.memref_slice %arg5[%add3A_473, %dma_start3A_710] : memref<200x128xi32, #tpu.memory_space<vmem>> -> memref<1x128xi32, #tpu.memory_space<vmem>>
        %dma_start3A_712 = tpu.memref_squeeze %dma_start3A_711 : memref<1x128xi32, #tpu.memory_space<vmem>> -> memref<128xi32, #tpu.memory_space<vmem>>
        %dma_start3A_713 = arith.constant 0 : i32
        %dma_start3A_714 = arith.constant 0 : i32
        %dma_start3A_715 = tpu.memref_slice %arg3[%dma_start3A_713, %dma_start3A_714] : memref<1000000x64xf32, #tpu.memory_space<hbm>> -> memref<1000000x64xf32, #tpu.memory_space<hbm>>
        %dma_start3A_716 = tpu.memref_slice %arg7[%dma_start3A_705] : memref<10x!tpu.dma_semaphore, #tpu.memory_space<semaphore_mem>> -> memref<1x!tpu.dma_semaphore, #tpu.memory_space<semaphore_mem>>
        %dma_start3A_717 = tpu.memref_squeeze %dma_start3A_716 : memref<1x!tpu.dma_semaphore, #tpu.memory_space<semaphore_mem>> -> memref<!tpu.dma_semaphore, #tpu.memory_space<semaphore_mem>>
        tpu.enqueue_indirect_dma source(%dma_start3A_715 : memref<1000000x64xf32, #tpu.memory_space<hbm>>) target(%dma_start3A_709 : memref<128x64xf32, #tpu.memory_space<vmem>>) offsets(%dma_start3A_712 : memref<128xi32, #tpu.memory_space<vmem>>) semaphore(%dma_start3A_717 : memref<!tpu.dma_semaphore, #tpu.memory_space<semaphore_mem>>)
      } else {
      }
      %dma_wait3A_479 = arith.constant 5 : i32
      %dma_wait3A_480 = arith.constant 5 : i32
      %dma_wait3A_481 = arith.constant 0 : i32
      %dma_wait3A_482 = arith.constant 0 : i32
      %dma_wait3A_483 = tpu.memref_slice %arg6[%dma_wait3A_479, %dma_wait3A_481, %dma_wait3A_482] : memref<10x128x64xf32, #tpu.memory_space<vmem>> -> memref<1x128x64xf32, #tpu.memory_space<vmem>>
      %dma_wait3A_484 = tpu.memref_squeeze %dma_wait3A_483 : memref<1x128x64xf32, #tpu.memory_space<vmem>> -> memref<128x64xf32, #tpu.memory_space<vmem>>
      %dma_wait3A_485 = arith.constant 0 : i32
      %dma_wait3A_486 = arith.constant 0 : i32
      %dma_wait3A_487 = tpu.memref_slice %arg3[%dma_wait3A_485, %dma_wait3A_486] : memref<1000000x64xf32, #tpu.memory_space<hbm>> -> memref<128x64xf32, #tpu.memory_space<hbm>>
      %dma_wait3A_488 = tpu.memref_slice %arg7[%dma_wait3A_480] : memref<10x!tpu.dma_semaphore, #tpu.memory_space<semaphore_mem>> -> memref<1x!tpu.dma_semaphore, #tpu.memory_space<semaphore_mem>>
      %dma_wait3A_489 = tpu.memref_squeeze %dma_wait3A_488 : memref<1x!tpu.dma_semaphore, #tpu.memory_space<semaphore_mem>> -> memref<!tpu.dma_semaphore, #tpu.memory_space<semaphore_mem>>
      %dma_wait3A_490 = arith.constant 0 : i32
      %dma_wait3A_491 = arith.constant 0 : i32
      %dma_wait3A_492 = tpu.memref_slice %arg6[%dma_wait3A_479, %dma_wait3A_490, %dma_wait3A_491] : memref<10x128x64xf32, #tpu.memory_space<vmem>> -> memref<1x128x64xf32, #tpu.memory_space<vmem>>
      %dma_wait3A_493 = tpu.memref_squeeze %dma_wait3A_492 : memref<1x128x64xf32, #tpu.memory_space<vmem>> -> memref<128x64xf32, #tpu.memory_space<vmem>>
      %dma_wait3A_494 = arith.constant 0 : i32
      %dma_wait3A_495 = arith.constant 0 : i32
      %dma_wait3A_496 = tpu.memref_slice %arg3[%dma_wait3A_494, %dma_wait3A_495] : memref<1000000x64xf32, #tpu.memory_space<hbm>> -> memref<128x64xf32, #tpu.memory_space<hbm>>
      tpu.wait_dma2 semaphore(%dma_wait3A_489 : memref<!tpu.dma_semaphore, #tpu.memory_space<semaphore_mem>>) src(%dma_wait3A_496 : memref<128x64xf32, #tpu.memory_space<hbm>>) dst(%dma_wait3A_493 : memref<128x64xf32, #tpu.memory_space<vmem>>)
      %mul3A_497 = arith.constant 128 : i32
      %mul3A_498 = arith.muli %add3A_471, %mul3A_497 : i32
      %add3A_499 = arith.addi %mul3A_2, %mul3A_498 : i32
      %dma_start3A_500 = arith.constant 5 : i32
      %dma_start3A_501 = arith.constant 5 : i32
      %dma_start3A_502 = arith.constant 0 : i32
      %dma_start3A_503 = arith.constant 0 : i32
      %dma_start3A_504 = tpu.memref_slice %arg6[%dma_start3A_500, %dma_start3A_502, %dma_start3A_503] : memref<10x128x64xf32, #tpu.memory_space<vmem>> -> memref<1x128x64xf32, #tpu.memory_space<vmem>>
      %dma_start3A_505 = tpu.memref_squeeze %dma_start3A_504 : memref<1x128x64xf32, #tpu.memory_space<vmem>> -> memref<128x64xf32, #tpu.memory_space<vmem>>
      %dma_start3A_506 = arith.constant 0 : i32
      %dma_start3A_507 = tpu.memref_slice %arg4[%add3A_499, %dma_start3A_506] : memref<819200x128xf32, #tpu.memory_space<hbm>> -> memref<128x64xf32, #tpu.memory_space<hbm>>
      %dma_start3A_508 = tpu.memref_slice %arg8[%dma_start3A_501] : memref<10x!tpu.dma_semaphore, #tpu.memory_space<semaphore_mem>> -> memref<1x!tpu.dma_semaphore, #tpu.memory_space<semaphore_mem>>
      %dma_start3A_509 = tpu.memref_squeeze %dma_start3A_508 : memref<1x!tpu.dma_semaphore, #tpu.memory_space<semaphore_mem>> -> memref<!tpu.dma_semaphore, #tpu.memory_space<semaphore_mem>>
      %dma_start3A_510 = arith.constant 0 : i32
      %dma_start3A_511 = tpu.memref_slice %arg4[%add3A_499, %dma_start3A_510] : memref<819200x128xf32, #tpu.memory_space<hbm>> -> memref<128x64xf32, #tpu.memory_space<hbm>>
      %dma_start3A_512 = arith.constant 0 : i32
      %dma_start3A_513 = arith.constant 0 : i32
      %dma_start3A_514 = tpu.memref_slice %arg6[%dma_start3A_500, %dma_start3A_512, %dma_start3A_513] : memref<10x128x64xf32, #tpu.memory_space<vmem>> -> memref<1x128x64xf32, #tpu.memory_space<vmem>>
      %dma_start3A_515 = tpu.memref_squeeze %dma_start3A_514 : memref<1x128x64xf32, #tpu.memory_space<vmem>> -> memref<128x64xf32, #tpu.memory_space<vmem>>
      tpu.enqueue_dma source(%dma_start3A_515 : memref<128x64xf32, #tpu.memory_space<vmem>>) target(%dma_start3A_511 : memref<128x64xf32, #tpu.memory_space<hbm>>) target_semaphore(%dma_start3A_509 : memref<!tpu.dma_semaphore, #tpu.memory_space<semaphore_mem>>)
      %add3A_516 = arith.constant 6 : i32
      %add3A_517 = arith.addi %mul3A_242, %add3A_516 : i32
      %add3A_518 = arith.constant 5 : i32
      %add3A_519 = arith.addi %add3A_517, %add3A_518 : i32
      %lt3A_520 = arith.constant 200 : i32
      %lt3A_521 = arith.cmpi slt, %add3A_519, %lt3A_520 : i32
      %convert_element_type3A_522 = arith.extui %lt3A_521 : i1 to i32
      %cond3A_523 = arith.constant 0 : i32
      %cond3A_524 = arith.cmpi ne, %convert_element_type3A_522, %cond3A_523 : i32
      scf.if %cond3A_524 {
        %ge3A = arith.constant 10 : i32
        %ge3A_700 = arith.cmpi sge, %add3A_519, %ge3A : i32
        %convert_element_type3A_701 = arith.extui %ge3A_700 : i1 to i32
        %cond3A_702 = arith.constant 0 : i32
        %cond3A_703 = arith.cmpi ne, %convert_element_type3A_701, %cond3A_702 : i32
        scf.if %cond3A_703 {
          %dma_wait3A_718 = arith.constant 1 : i32
          %dma_wait3A_719 = arith.constant 1 : i32
          %dma_wait3A_720 = arith.constant 0 : i32
          %dma_wait3A_721 = arith.constant 0 : i32
          %dma_wait3A_722 = tpu.memref_slice %arg6[%dma_wait3A_718, %dma_wait3A_720, %dma_wait3A_721] : memref<10x128x64xf32, #tpu.memory_space<vmem>> -> memref<1x128x64xf32, #tpu.memory_space<vmem>>
          %dma_wait3A_723 = tpu.memref_squeeze %dma_wait3A_722 : memref<1x128x64xf32, #tpu.memory_space<vmem>> -> memref<128x64xf32, #tpu.memory_space<vmem>>
          %dma_wait3A_724 = arith.constant 0 : i32
          %dma_wait3A_725 = tpu.memref_slice %arg4[%mul3A_2, %dma_wait3A_724] : memref<819200x128xf32, #tpu.memory_space<hbm>> -> memref<128x64xf32, #tpu.memory_space<hbm>>
          %dma_wait3A_726 = tpu.memref_slice %arg8[%dma_wait3A_719] : memref<10x!tpu.dma_semaphore, #tpu.memory_space<semaphore_mem>> -> memref<1x!tpu.dma_semaphore, #tpu.memory_space<semaphore_mem>>
          %dma_wait3A_727 = tpu.memref_squeeze %dma_wait3A_726 : memref<1x!tpu.dma_semaphore, #tpu.memory_space<semaphore_mem>> -> memref<!tpu.dma_semaphore, #tpu.memory_space<semaphore_mem>>
          %dma_wait3A_728 = arith.constant 0 : i32
          %dma_wait3A_729 = tpu.memref_slice %arg4[%mul3A_2, %dma_wait3A_728] : memref<819200x128xf32, #tpu.memory_space<hbm>> -> memref<128x64xf32, #tpu.memory_space<hbm>>
          %dma_wait3A_730 = arith.constant 0 : i32
          %dma_wait3A_731 = arith.constant 0 : i32
          %dma_wait3A_732 = tpu.memref_slice %arg6[%dma_wait3A_718, %dma_wait3A_730, %dma_wait3A_731] : memref<10x128x64xf32, #tpu.memory_space<vmem>> -> memref<1x128x64xf32, #tpu.memory_space<vmem>>
          %dma_wait3A_733 = tpu.memref_squeeze %dma_wait3A_732 : memref<1x128x64xf32, #tpu.memory_space<vmem>> -> memref<128x64xf32, #tpu.memory_space<vmem>>
          tpu.wait_dma2 semaphore(%dma_wait3A_727 : memref<!tpu.dma_semaphore, #tpu.memory_space<semaphore_mem>>) src(%dma_wait3A_733 : memref<128x64xf32, #tpu.memory_space<vmem>>) dst(%dma_wait3A_729 : memref<128x64xf32, #tpu.memory_space<hbm>>)
        } else {
        }
        %dma_start3A_704 = arith.constant 1 : i32
        %dma_start3A_705 = arith.constant 1 : i32
        %dma_start3A_706 = arith.constant 0 : i32
        %dma_start3A_707 = arith.constant 0 : i32
        %dma_start3A_708 = tpu.memref_slice %arg6[%dma_start3A_704, %dma_start3A_706, %dma_start3A_707] : memref<10x128x64xf32, #tpu.memory_space<vmem>> -> memref<1x128x64xf32, #tpu.memory_space<vmem>>
        %dma_start3A_709 = tpu.memref_squeeze %dma_start3A_708 : memref<1x128x64xf32, #tpu.memory_space<vmem>> -> memref<128x64xf32, #tpu.memory_space<vmem>>
        %dma_start3A_710 = arith.constant 0 : i32
        %dma_start3A_711 = tpu.memref_slice %arg5[%add3A_519, %dma_start3A_710] : memref<200x128xi32, #tpu.memory_space<vmem>> -> memref<1x128xi32, #tpu.memory_space<vmem>>
        %dma_start3A_712 = tpu.memref_squeeze %dma_start3A_711 : memref<1x128xi32, #tpu.memory_space<vmem>> -> memref<128xi32, #tpu.memory_space<vmem>>
        %dma_start3A_713 = arith.constant 0 : i32
        %dma_start3A_714 = arith.constant 0 : i32
        %dma_start3A_715 = tpu.memref_slice %arg3[%dma_start3A_713, %dma_start3A_714] : memref<1000000x64xf32, #tpu.memory_space<hbm>> -> memref<1000000x64xf32, #tpu.memory_space<hbm>>
        %dma_start3A_716 = tpu.memref_slice %arg7[%dma_start3A_705] : memref<10x!tpu.dma_semaphore, #tpu.memory_space<semaphore_mem>> -> memref<1x!tpu.dma_semaphore, #tpu.memory_space<semaphore_mem>>
        %dma_start3A_717 = tpu.memref_squeeze %dma_start3A_716 : memref<1x!tpu.dma_semaphore, #tpu.memory_space<semaphore_mem>> -> memref<!tpu.dma_semaphore, #tpu.memory_space<semaphore_mem>>
        tpu.enqueue_indirect_dma source(%dma_start3A_715 : memref<1000000x64xf32, #tpu.memory_space<hbm>>) target(%dma_start3A_709 : memref<128x64xf32, #tpu.memory_space<vmem>>) offsets(%dma_start3A_712 : memref<128xi32, #tpu.memory_space<vmem>>) semaphore(%dma_start3A_717 : memref<!tpu.dma_semaphore, #tpu.memory_space<semaphore_mem>>)
      } else {
      }
      %dma_wait3A_525 = arith.constant 6 : i32
      %dma_wait3A_526 = arith.constant 6 : i32
      %dma_wait3A_527 = arith.constant 0 : i32
      %dma_wait3A_528 = arith.constant 0 : i32
      %dma_wait3A_529 = tpu.memref_slice %arg6[%dma_wait3A_525, %dma_wait3A_527, %dma_wait3A_528] : memref<10x128x64xf32, #tpu.memory_space<vmem>> -> memref<1x128x64xf32, #tpu.memory_space<vmem>>
      %dma_wait3A_530 = tpu.memref_squeeze %dma_wait3A_529 : memref<1x128x64xf32, #tpu.memory_space<vmem>> -> memref<128x64xf32, #tpu.memory_space<vmem>>
      %dma_wait3A_531 = arith.constant 0 : i32
      %dma_wait3A_532 = arith.constant 0 : i32
      %dma_wait3A_533 = tpu.memref_slice %arg3[%dma_wait3A_531, %dma_wait3A_532] : memref<1000000x64xf32, #tpu.memory_space<hbm>> -> memref<128x64xf32, #tpu.memory_space<hbm>>
      %dma_wait3A_534 = tpu.memref_slice %arg7[%dma_wait3A_526] : memref<10x!tpu.dma_semaphore, #tpu.memory_space<semaphore_mem>> -> memref<1x!tpu.dma_semaphore, #tpu.memory_space<semaphore_mem>>
      %dma_wait3A_535 = tpu.memref_squeeze %dma_wait3A_534 : memref<1x!tpu.dma_semaphore, #tpu.memory_space<semaphore_mem>> -> memref<!tpu.dma_semaphore, #tpu.memory_space<semaphore_mem>>
      %dma_wait3A_536 = arith.constant 0 : i32
      %dma_wait3A_537 = arith.constant 0 : i32
      %dma_wait3A_538 = tpu.memref_slice %arg6[%dma_wait3A_525, %dma_wait3A_536, %dma_wait3A_537] : memref<10x128x64xf32, #tpu.memory_space<vmem>> -> memref<1x128x64xf32, #tpu.memory_space<vmem>>
      %dma_wait3A_539 = tpu.memref_squeeze %dma_wait3A_538 : memref<1x128x64xf32, #tpu.memory_space<vmem>> -> memref<128x64xf32, #tpu.memory_space<vmem>>
      %dma_wait3A_540 = arith.constant 0 : i32
      %dma_wait3A_541 = arith.constant 0 : i32
      %dma_wait3A_542 = tpu.memref_slice %arg3[%dma_wait3A_540, %dma_wait3A_541] : memref<1000000x64xf32, #tpu.memory_space<hbm>> -> memref<128x64xf32, #tpu.memory_space<hbm>>
      tpu.wait_dma2 semaphore(%dma_wait3A_535 : memref<!tpu.dma_semaphore, #tpu.memory_space<semaphore_mem>>) src(%dma_wait3A_542 : memref<128x64xf32, #tpu.memory_space<hbm>>) dst(%dma_wait3A_539 : memref<128x64xf32, #tpu.memory_space<vmem>>)
      %mul3A_543 = arith.constant 128 : i32
      %mul3A_544 = arith.muli %add3A_517, %mul3A_543 : i32
      %add3A_545 = arith.addi %mul3A_2, %mul3A_544 : i32
      %dma_start3A_546 = arith.constant 6 : i32
      %dma_start3A_547 = arith.constant 6 : i32
      %dma_start3A_548 = arith.constant 0 : i32
      %dma_start3A_549 = arith.constant 0 : i32
      %dma_start3A_550 = tpu.memref_slice %arg6[%dma_start3A_546, %dma_start3A_548, %dma_start3A_549] : memref<10x128x64xf32, #tpu.memory_space<vmem>> -> memref<1x128x64xf32, #tpu.memory_space<vmem>>
      %dma_start3A_551 = tpu.memref_squeeze %dma_start3A_550 : memref<1x128x64xf32, #tpu.memory_space<vmem>> -> memref<128x64xf32, #tpu.memory_space<vmem>>
      %dma_start3A_552 = arith.constant 0 : i32
      %dma_start3A_553 = tpu.memref_slice %arg4[%add3A_545, %dma_start3A_552] : memref<819200x128xf32, #tpu.memory_space<hbm>> -> memref<128x64xf32, #tpu.memory_space<hbm>>
      %dma_start3A_554 = tpu.memref_slice %arg8[%dma_start3A_547] : memref<10x!tpu.dma_semaphore, #tpu.memory_space<semaphore_mem>> -> memref<1x!tpu.dma_semaphore, #tpu.memory_space<semaphore_mem>>
      %dma_start3A_555 = tpu.memref_squeeze %dma_start3A_554 : memref<1x!tpu.dma_semaphore, #tpu.memory_space<semaphore_mem>> -> memref<!tpu.dma_semaphore, #tpu.memory_space<semaphore_mem>>
      %dma_start3A_556 = arith.constant 0 : i32
      %dma_start3A_557 = tpu.memref_slice %arg4[%add3A_545, %dma_start3A_556] : memref<819200x128xf32, #tpu.memory_space<hbm>> -> memref<128x64xf32, #tpu.memory_space<hbm>>
      %dma_start3A_558 = arith.constant 0 : i32
      %dma_start3A_559 = arith.constant 0 : i32
      %dma_start3A_560 = tpu.memref_slice %arg6[%dma_start3A_546, %dma_start3A_558, %dma_start3A_559] : memref<10x128x64xf32, #tpu.memory_space<vmem>> -> memref<1x128x64xf32, #tpu.memory_space<vmem>>
      %dma_start3A_561 = tpu.memref_squeeze %dma_start3A_560 : memref<1x128x64xf32, #tpu.memory_space<vmem>> -> memref<128x64xf32, #tpu.memory_space<vmem>>
      tpu.enqueue_dma source(%dma_start3A_561 : memref<128x64xf32, #tpu.memory_space<vmem>>) target(%dma_start3A_557 : memref<128x64xf32, #tpu.memory_space<hbm>>) target_semaphore(%dma_start3A_555 : memref<!tpu.dma_semaphore, #tpu.memory_space<semaphore_mem>>)
      %add3A_562 = arith.constant 7 : i32
      %add3A_563 = arith.addi %mul3A_242, %add3A_562 : i32
      %add3A_564 = arith.constant 5 : i32
      %add3A_565 = arith.addi %add3A_563, %add3A_564 : i32
      %lt3A_566 = arith.constant 200 : i32
      %lt3A_567 = arith.cmpi slt, %add3A_565, %lt3A_566 : i32
      %convert_element_type3A_568 = arith.extui %lt3A_567 : i1 to i32
      %cond3A_569 = arith.constant 0 : i32
      %cond3A_570 = arith.cmpi ne, %convert_element_type3A_568, %cond3A_569 : i32
      scf.if %cond3A_570 {
        %ge3A = arith.constant 10 : i32
        %ge3A_700 = arith.cmpi sge, %add3A_565, %ge3A : i32
        %convert_element_type3A_701 = arith.extui %ge3A_700 : i1 to i32
        %cond3A_702 = arith.constant 0 : i32
        %cond3A_703 = arith.cmpi ne, %convert_element_type3A_701, %cond3A_702 : i32
        scf.if %cond3A_703 {
          %dma_wait3A_718 = arith.constant 2 : i32
          %dma_wait3A_719 = arith.constant 2 : i32
          %dma_wait3A_720 = arith.constant 0 : i32
          %dma_wait3A_721 = arith.constant 0 : i32
          %dma_wait3A_722 = tpu.memref_slice %arg6[%dma_wait3A_718, %dma_wait3A_720, %dma_wait3A_721] : memref<10x128x64xf32, #tpu.memory_space<vmem>> -> memref<1x128x64xf32, #tpu.memory_space<vmem>>
          %dma_wait3A_723 = tpu.memref_squeeze %dma_wait3A_722 : memref<1x128x64xf32, #tpu.memory_space<vmem>> -> memref<128x64xf32, #tpu.memory_space<vmem>>
          %dma_wait3A_724 = arith.constant 0 : i32
          %dma_wait3A_725 = tpu.memref_slice %arg4[%mul3A_2, %dma_wait3A_724] : memref<819200x128xf32, #tpu.memory_space<hbm>> -> memref<128x64xf32, #tpu.memory_space<hbm>>
          %dma_wait3A_726 = tpu.memref_slice %arg8[%dma_wait3A_719] : memref<10x!tpu.dma_semaphore, #tpu.memory_space<semaphore_mem>> -> memref<1x!tpu.dma_semaphore, #tpu.memory_space<semaphore_mem>>
          %dma_wait3A_727 = tpu.memref_squeeze %dma_wait3A_726 : memref<1x!tpu.dma_semaphore, #tpu.memory_space<semaphore_mem>> -> memref<!tpu.dma_semaphore, #tpu.memory_space<semaphore_mem>>
          %dma_wait3A_728 = arith.constant 0 : i32
          %dma_wait3A_729 = tpu.memref_slice %arg4[%mul3A_2, %dma_wait3A_728] : memref<819200x128xf32, #tpu.memory_space<hbm>> -> memref<128x64xf32, #tpu.memory_space<hbm>>
          %dma_wait3A_730 = arith.constant 0 : i32
          %dma_wait3A_731 = arith.constant 0 : i32
          %dma_wait3A_732 = tpu.memref_slice %arg6[%dma_wait3A_718, %dma_wait3A_730, %dma_wait3A_731] : memref<10x128x64xf32, #tpu.memory_space<vmem>> -> memref<1x128x64xf32, #tpu.memory_space<vmem>>
          %dma_wait3A_733 = tpu.memref_squeeze %dma_wait3A_732 : memref<1x128x64xf32, #tpu.memory_space<vmem>> -> memref<128x64xf32, #tpu.memory_space<vmem>>
          tpu.wait_dma2 semaphore(%dma_wait3A_727 : memref<!tpu.dma_semaphore, #tpu.memory_space<semaphore_mem>>) src(%dma_wait3A_733 : memref<128x64xf32, #tpu.memory_space<vmem>>) dst(%dma_wait3A_729 : memref<128x64xf32, #tpu.memory_space<hbm>>)
        } else {
        }
        %dma_start3A_704 = arith.constant 2 : i32
        %dma_start3A_705 = arith.constant 2 : i32
        %dma_start3A_706 = arith.constant 0 : i32
        %dma_start3A_707 = arith.constant 0 : i32
        %dma_start3A_708 = tpu.memref_slice %arg6[%dma_start3A_704, %dma_start3A_706, %dma_start3A_707] : memref<10x128x64xf32, #tpu.memory_space<vmem>> -> memref<1x128x64xf32, #tpu.memory_space<vmem>>
        %dma_start3A_709 = tpu.memref_squeeze %dma_start3A_708 : memref<1x128x64xf32, #tpu.memory_space<vmem>> -> memref<128x64xf32, #tpu.memory_space<vmem>>
        %dma_start3A_710 = arith.constant 0 : i32
        %dma_start3A_711 = tpu.memref_slice %arg5[%add3A_565, %dma_start3A_710] : memref<200x128xi32, #tpu.memory_space<vmem>> -> memref<1x128xi32, #tpu.memory_space<vmem>>
        %dma_start3A_712 = tpu.memref_squeeze %dma_start3A_711 : memref<1x128xi32, #tpu.memory_space<vmem>> -> memref<128xi32, #tpu.memory_space<vmem>>
        %dma_start3A_713 = arith.constant 0 : i32
        %dma_start3A_714 = arith.constant 0 : i32
        %dma_start3A_715 = tpu.memref_slice %arg3[%dma_start3A_713, %dma_start3A_714] : memref<1000000x64xf32, #tpu.memory_space<hbm>> -> memref<1000000x64xf32, #tpu.memory_space<hbm>>
        %dma_start3A_716 = tpu.memref_slice %arg7[%dma_start3A_705] : memref<10x!tpu.dma_semaphore, #tpu.memory_space<semaphore_mem>> -> memref<1x!tpu.dma_semaphore, #tpu.memory_space<semaphore_mem>>
        %dma_start3A_717 = tpu.memref_squeeze %dma_start3A_716 : memref<1x!tpu.dma_semaphore, #tpu.memory_space<semaphore_mem>> -> memref<!tpu.dma_semaphore, #tpu.memory_space<semaphore_mem>>
        tpu.enqueue_indirect_dma source(%dma_start3A_715 : memref<1000000x64xf32, #tpu.memory_space<hbm>>) target(%dma_start3A_709 : memref<128x64xf32, #tpu.memory_space<vmem>>) offsets(%dma_start3A_712 : memref<128xi32, #tpu.memory_space<vmem>>) semaphore(%dma_start3A_717 : memref<!tpu.dma_semaphore, #tpu.memory_space<semaphore_mem>>)
      } else {
      }
      %dma_wait3A_571 = arith.constant 7 : i32
      %dma_wait3A_572 = arith.constant 7 : i32
      %dma_wait3A_573 = arith.constant 0 : i32
      %dma_wait3A_574 = arith.constant 0 : i32
      %dma_wait3A_575 = tpu.memref_slice %arg6[%dma_wait3A_571, %dma_wait3A_573, %dma_wait3A_574] : memref<10x128x64xf32, #tpu.memory_space<vmem>> -> memref<1x128x64xf32, #tpu.memory_space<vmem>>
      %dma_wait3A_576 = tpu.memref_squeeze %dma_wait3A_575 : memref<1x128x64xf32, #tpu.memory_space<vmem>> -> memref<128x64xf32, #tpu.memory_space<vmem>>
      %dma_wait3A_577 = arith.constant 0 : i32
      %dma_wait3A_578 = arith.constant 0 : i32
      %dma_wait3A_579 = tpu.memref_slice %arg3[%dma_wait3A_577, %dma_wait3A_578] : memref<1000000x64xf32, #tpu.memory_space<hbm>> -> memref<128x64xf32, #tpu.memory_space<hbm>>
      %dma_wait3A_580 = tpu.memref_slice %arg7[%dma_wait3A_572] : memref<10x!tpu.dma_semaphore, #tpu.memory_space<semaphore_mem>> -> memref<1x!tpu.dma_semaphore, #tpu.memory_space<semaphore_mem>>
      %dma_wait3A_581 = tpu.memref_squeeze %dma_wait3A_580 : memref<1x!tpu.dma_semaphore, #tpu.memory_space<semaphore_mem>> -> memref<!tpu.dma_semaphore, #tpu.memory_space<semaphore_mem>>
      %dma_wait3A_582 = arith.constant 0 : i32
      %dma_wait3A_583 = arith.constant 0 : i32
      %dma_wait3A_584 = tpu.memref_slice %arg6[%dma_wait3A_571, %dma_wait3A_582, %dma_wait3A_583] : memref<10x128x64xf32, #tpu.memory_space<vmem>> -> memref<1x128x64xf32, #tpu.memory_space<vmem>>
      %dma_wait3A_585 = tpu.memref_squeeze %dma_wait3A_584 : memref<1x128x64xf32, #tpu.memory_space<vmem>> -> memref<128x64xf32, #tpu.memory_space<vmem>>
      %dma_wait3A_586 = arith.constant 0 : i32
      %dma_wait3A_587 = arith.constant 0 : i32
      %dma_wait3A_588 = tpu.memref_slice %arg3[%dma_wait3A_586, %dma_wait3A_587] : memref<1000000x64xf32, #tpu.memory_space<hbm>> -> memref<128x64xf32, #tpu.memory_space<hbm>>
      tpu.wait_dma2 semaphore(%dma_wait3A_581 : memref<!tpu.dma_semaphore, #tpu.memory_space<semaphore_mem>>) src(%dma_wait3A_588 : memref<128x64xf32, #tpu.memory_space<hbm>>) dst(%dma_wait3A_585 : memref<128x64xf32, #tpu.memory_space<vmem>>)
      %mul3A_589 = arith.constant 128 : i32
      %mul3A_590 = arith.muli %add3A_563, %mul3A_589 : i32
      %add3A_591 = arith.addi %mul3A_2, %mul3A_590 : i32
      %dma_start3A_592 = arith.constant 7 : i32
      %dma_start3A_593 = arith.constant 7 : i32
      %dma_start3A_594 = arith.constant 0 : i32
      %dma_start3A_595 = arith.constant 0 : i32
      %dma_start3A_596 = tpu.memref_slice %arg6[%dma_start3A_592, %dma_start3A_594, %dma_start3A_595] : memref<10x128x64xf32, #tpu.memory_space<vmem>> -> memref<1x128x64xf32, #tpu.memory_space<vmem>>
      %dma_start3A_597 = tpu.memref_squeeze %dma_start3A_596 : memref<1x128x64xf32, #tpu.memory_space<vmem>> -> memref<128x64xf32, #tpu.memory_space<vmem>>
      %dma_start3A_598 = arith.constant 0 : i32
      %dma_start3A_599 = tpu.memref_slice %arg4[%add3A_591, %dma_start3A_598] : memref<819200x128xf32, #tpu.memory_space<hbm>> -> memref<128x64xf32, #tpu.memory_space<hbm>>
      %dma_start3A_600 = tpu.memref_slice %arg8[%dma_start3A_593] : memref<10x!tpu.dma_semaphore, #tpu.memory_space<semaphore_mem>> -> memref<1x!tpu.dma_semaphore, #tpu.memory_space<semaphore_mem>>
      %dma_start3A_601 = tpu.memref_squeeze %dma_start3A_600 : memref<1x!tpu.dma_semaphore, #tpu.memory_space<semaphore_mem>> -> memref<!tpu.dma_semaphore, #tpu.memory_space<semaphore_mem>>
      %dma_start3A_602 = arith.constant 0 : i32
      %dma_start3A_603 = tpu.memref_slice %arg4[%add3A_591, %dma_start3A_602] : memref<819200x128xf32, #tpu.memory_space<hbm>> -> memref<128x64xf32, #tpu.memory_space<hbm>>
      %dma_start3A_604 = arith.constant 0 : i32
      %dma_start3A_605 = arith.constant 0 : i32
      %dma_start3A_606 = tpu.memref_slice %arg6[%dma_start3A_592, %dma_start3A_604, %dma_start3A_605] : memref<10x128x64xf32, #tpu.memory_space<vmem>> -> memref<1x128x64xf32, #tpu.memory_space<vmem>>
      %dma_start3A_607 = tpu.memref_squeeze %dma_start3A_606 : memref<1x128x64xf32, #tpu.memory_space<vmem>> -> memref<128x64xf32, #tpu.memory_space<vmem>>
      tpu.enqueue_dma source(%dma_start3A_607 : memref<128x64xf32, #tpu.memory_space<vmem>>) target(%dma_start3A_603 : memref<128x64xf32, #tpu.memory_space<hbm>>) target_semaphore(%dma_start3A_601 : memref<!tpu.dma_semaphore, #tpu.memory_space<semaphore_mem>>)
      %add3A_608 = arith.constant 8 : i32
      %add3A_609 = arith.addi %mul3A_242, %add3A_608 : i32
      %add3A_610 = arith.constant 5 : i32
      %add3A_611 = arith.addi %add3A_609, %add3A_610 : i32
      %lt3A_612 = arith.constant 200 : i32
      %lt3A_613 = arith.cmpi slt, %add3A_611, %lt3A_612 : i32
      %convert_element_type3A_614 = arith.extui %lt3A_613 : i1 to i32
      %cond3A_615 = arith.constant 0 : i32
      %cond3A_616 = arith.cmpi ne, %convert_element_type3A_614, %cond3A_615 : i32
      scf.if %cond3A_616 {
        %ge3A = arith.constant 10 : i32
        %ge3A_700 = arith.cmpi sge, %add3A_611, %ge3A : i32
        %convert_element_type3A_701 = arith.extui %ge3A_700 : i1 to i32
        %cond3A_702 = arith.constant 0 : i32
        %cond3A_703 = arith.cmpi ne, %convert_element_type3A_701, %cond3A_702 : i32
        scf.if %cond3A_703 {
          %dma_wait3A_718 = arith.constant 3 : i32
          %dma_wait3A_719 = arith.constant 3 : i32
          %dma_wait3A_720 = arith.constant 0 : i32
          %dma_wait3A_721 = arith.constant 0 : i32
          %dma_wait3A_722 = tpu.memref_slice %arg6[%dma_wait3A_718, %dma_wait3A_720, %dma_wait3A_721] : memref<10x128x64xf32, #tpu.memory_space<vmem>> -> memref<1x128x64xf32, #tpu.memory_space<vmem>>
          %dma_wait3A_723 = tpu.memref_squeeze %dma_wait3A_722 : memref<1x128x64xf32, #tpu.memory_space<vmem>> -> memref<128x64xf32, #tpu.memory_space<vmem>>
          %dma_wait3A_724 = arith.constant 0 : i32
          %dma_wait3A_725 = tpu.memref_slice %arg4[%mul3A_2, %dma_wait3A_724] : memref<819200x128xf32, #tpu.memory_space<hbm>> -> memref<128x64xf32, #tpu.memory_space<hbm>>
          %dma_wait3A_726 = tpu.memref_slice %arg8[%dma_wait3A_719] : memref<10x!tpu.dma_semaphore, #tpu.memory_space<semaphore_mem>> -> memref<1x!tpu.dma_semaphore, #tpu.memory_space<semaphore_mem>>
          %dma_wait3A_727 = tpu.memref_squeeze %dma_wait3A_726 : memref<1x!tpu.dma_semaphore, #tpu.memory_space<semaphore_mem>> -> memref<!tpu.dma_semaphore, #tpu.memory_space<semaphore_mem>>
          %dma_wait3A_728 = arith.constant 0 : i32
          %dma_wait3A_729 = tpu.memref_slice %arg4[%mul3A_2, %dma_wait3A_728] : memref<819200x128xf32, #tpu.memory_space<hbm>> -> memref<128x64xf32, #tpu.memory_space<hbm>>
          %dma_wait3A_730 = arith.constant 0 : i32
          %dma_wait3A_731 = arith.constant 0 : i32
          %dma_wait3A_732 = tpu.memref_slice %arg6[%dma_wait3A_718, %dma_wait3A_730, %dma_wait3A_731] : memref<10x128x64xf32, #tpu.memory_space<vmem>> -> memref<1x128x64xf32, #tpu.memory_space<vmem>>
          %dma_wait3A_733 = tpu.memref_squeeze %dma_wait3A_732 : memref<1x128x64xf32, #tpu.memory_space<vmem>> -> memref<128x64xf32, #tpu.memory_space<vmem>>
          tpu.wait_dma2 semaphore(%dma_wait3A_727 : memref<!tpu.dma_semaphore, #tpu.memory_space<semaphore_mem>>) src(%dma_wait3A_733 : memref<128x64xf32, #tpu.memory_space<vmem>>) dst(%dma_wait3A_729 : memref<128x64xf32, #tpu.memory_space<hbm>>)
        } else {
        }
        %dma_start3A_704 = arith.constant 3 : i32
        %dma_start3A_705 = arith.constant 3 : i32
        %dma_start3A_706 = arith.constant 0 : i32
        %dma_start3A_707 = arith.constant 0 : i32
        %dma_start3A_708 = tpu.memref_slice %arg6[%dma_start3A_704, %dma_start3A_706, %dma_start3A_707] : memref<10x128x64xf32, #tpu.memory_space<vmem>> -> memref<1x128x64xf32, #tpu.memory_space<vmem>>
        %dma_start3A_709 = tpu.memref_squeeze %dma_start3A_708 : memref<1x128x64xf32, #tpu.memory_space<vmem>> -> memref<128x64xf32, #tpu.memory_space<vmem>>
        %dma_start3A_710 = arith.constant 0 : i32
        %dma_start3A_711 = tpu.memref_slice %arg5[%add3A_611, %dma_start3A_710] : memref<200x128xi32, #tpu.memory_space<vmem>> -> memref<1x128xi32, #tpu.memory_space<vmem>>
        %dma_start3A_712 = tpu.memref_squeeze %dma_start3A_711 : memref<1x128xi32, #tpu.memory_space<vmem>> -> memref<128xi32, #tpu.memory_space<vmem>>
        %dma_start3A_713 = arith.constant 0 : i32
        %dma_start3A_714 = arith.constant 0 : i32
        %dma_start3A_715 = tpu.memref_slice %arg3[%dma_start3A_713, %dma_start3A_714] : memref<1000000x64xf32, #tpu.memory_space<hbm>> -> memref<1000000x64xf32, #tpu.memory_space<hbm>>
        %dma_start3A_716 = tpu.memref_slice %arg7[%dma_start3A_705] : memref<10x!tpu.dma_semaphore, #tpu.memory_space<semaphore_mem>> -> memref<1x!tpu.dma_semaphore, #tpu.memory_space<semaphore_mem>>
        %dma_start3A_717 = tpu.memref_squeeze %dma_start3A_716 : memref<1x!tpu.dma_semaphore, #tpu.memory_space<semaphore_mem>> -> memref<!tpu.dma_semaphore, #tpu.memory_space<semaphore_mem>>
        tpu.enqueue_indirect_dma source(%dma_start3A_715 : memref<1000000x64xf32, #tpu.memory_space<hbm>>) target(%dma_start3A_709 : memref<128x64xf32, #tpu.memory_space<vmem>>) offsets(%dma_start3A_712 : memref<128xi32, #tpu.memory_space<vmem>>) semaphore(%dma_start3A_717 : memref<!tpu.dma_semaphore, #tpu.memory_space<semaphore_mem>>)
      } else {
      }
      %dma_wait3A_617 = arith.constant 8 : i32
      %dma_wait3A_618 = arith.constant 8 : i32
      %dma_wait3A_619 = arith.constant 0 : i32
      %dma_wait3A_620 = arith.constant 0 : i32
      %dma_wait3A_621 = tpu.memref_slice %arg6[%dma_wait3A_617, %dma_wait3A_619, %dma_wait3A_620] : memref<10x128x64xf32, #tpu.memory_space<vmem>> -> memref<1x128x64xf32, #tpu.memory_space<vmem>>
      %dma_wait3A_622 = tpu.memref_squeeze %dma_wait3A_621 : memref<1x128x64xf32, #tpu.memory_space<vmem>> -> memref<128x64xf32, #tpu.memory_space<vmem>>
      %dma_wait3A_623 = arith.constant 0 : i32
      %dma_wait3A_624 = arith.constant 0 : i32
      %dma_wait3A_625 = tpu.memref_slice %arg3[%dma_wait3A_623, %dma_wait3A_624] : memref<1000000x64xf32, #tpu.memory_space<hbm>> -> memref<128x64xf32, #tpu.memory_space<hbm>>
      %dma_wait3A_626 = tpu.memref_slice %arg7[%dma_wait3A_618] : memref<10x!tpu.dma_semaphore, #tpu.memory_space<semaphore_mem>> -> memref<1x!tpu.dma_semaphore, #tpu.memory_space<semaphore_mem>>
      %dma_wait3A_627 = tpu.memref_squeeze %dma_wait3A_626 : memref<1x!tpu.dma_semaphore, #tpu.memory_space<semaphore_mem>> -> memref<!tpu.dma_semaphore, #tpu.memory_space<semaphore_mem>>
      %dma_wait3A_628 = arith.constant 0 : i32
      %dma_wait3A_629 = arith.constant 0 : i32
      %dma_wait3A_630 = tpu.memref_slice %arg6[%dma_wait3A_617, %dma_wait3A_628, %dma_wait3A_629] : memref<10x128x64xf32, #tpu.memory_space<vmem>> -> memref<1x128x64xf32, #tpu.memory_space<vmem>>
      %dma_wait3A_631 = tpu.memref_squeeze %dma_wait3A_630 : memref<1x128x64xf32, #tpu.memory_space<vmem>> -> memref<128x64xf32, #tpu.memory_space<vmem>>
      %dma_wait3A_632 = arith.constant 0 : i32
      %dma_wait3A_633 = arith.constant 0 : i32
      %dma_wait3A_634 = tpu.memref_slice %arg3[%dma_wait3A_632, %dma_wait3A_633] : memref<1000000x64xf32, #tpu.memory_space<hbm>> -> memref<128x64xf32, #tpu.memory_space<hbm>>
      tpu.wait_dma2 semaphore(%dma_wait3A_627 : memref<!tpu.dma_semaphore, #tpu.memory_space<semaphore_mem>>) src(%dma_wait3A_634 : memref<128x64xf32, #tpu.memory_space<hbm>>) dst(%dma_wait3A_631 : memref<128x64xf32, #tpu.memory_space<vmem>>)
      %mul3A_635 = arith.constant 128 : i32
      %mul3A_636 = arith.muli %add3A_609, %mul3A_635 : i32
      %add3A_637 = arith.addi %mul3A_2, %mul3A_636 : i32
      %dma_start3A_638 = arith.constant 8 : i32
      %dma_start3A_639 = arith.constant 8 : i32
      %dma_start3A_640 = arith.constant 0 : i32
      %dma_start3A_641 = arith.constant 0 : i32
      %dma_start3A_642 = tpu.memref_slice %arg6[%dma_start3A_638, %dma_start3A_640, %dma_start3A_641] : memref<10x128x64xf32, #tpu.memory_space<vmem>> -> memref<1x128x64xf32, #tpu.memory_space<vmem>>
      %dma_start3A_643 = tpu.memref_squeeze %dma_start3A_642 : memref<1x128x64xf32, #tpu.memory_space<vmem>> -> memref<128x64xf32, #tpu.memory_space<vmem>>
      %dma_start3A_644 = arith.constant 0 : i32
      %dma_start3A_645 = tpu.memref_slice %arg4[%add3A_637, %dma_start3A_644] : memref<819200x128xf32, #tpu.memory_space<hbm>> -> memref<128x64xf32, #tpu.memory_space<hbm>>
      %dma_start3A_646 = tpu.memref_slice %arg8[%dma_start3A_639] : memref<10x!tpu.dma_semaphore, #tpu.memory_space<semaphore_mem>> -> memref<1x!tpu.dma_semaphore, #tpu.memory_space<semaphore_mem>>
      %dma_start3A_647 = tpu.memref_squeeze %dma_start3A_646 : memref<1x!tpu.dma_semaphore, #tpu.memory_space<semaphore_mem>> -> memref<!tpu.dma_semaphore, #tpu.memory_space<semaphore_mem>>
      %dma_start3A_648 = arith.constant 0 : i32
      %dma_start3A_649 = tpu.memref_slice %arg4[%add3A_637, %dma_start3A_648] : memref<819200x128xf32, #tpu.memory_space<hbm>> -> memref<128x64xf32, #tpu.memory_space<hbm>>
      %dma_start3A_650 = arith.constant 0 : i32
      %dma_start3A_651 = arith.constant 0 : i32
      %dma_start3A_652 = tpu.memref_slice %arg6[%dma_start3A_638, %dma_start3A_650, %dma_start3A_651] : memref<10x128x64xf32, #tpu.memory_space<vmem>> -> memref<1x128x64xf32, #tpu.memory_space<vmem>>
      %dma_start3A_653 = tpu.memref_squeeze %dma_start3A_652 : memref<1x128x64xf32, #tpu.memory_space<vmem>> -> memref<128x64xf32, #tpu.memory_space<vmem>>
      tpu.enqueue_dma source(%dma_start3A_653 : memref<128x64xf32, #tpu.memory_space<vmem>>) target(%dma_start3A_649 : memref<128x64xf32, #tpu.memory_space<hbm>>) target_semaphore(%dma_start3A_647 : memref<!tpu.dma_semaphore, #tpu.memory_space<semaphore_mem>>)
      %add3A_654 = arith.constant 9 : i32
      %add3A_655 = arith.addi %mul3A_242, %add3A_654 : i32
      %add3A_656 = arith.constant 5 : i32
      %add3A_657 = arith.addi %add3A_655, %add3A_656 : i32
      %lt3A_658 = arith.constant 200 : i32
      %lt3A_659 = arith.cmpi slt, %add3A_657, %lt3A_658 : i32
      %convert_element_type3A_660 = arith.extui %lt3A_659 : i1 to i32
      %cond3A_661 = arith.constant 0 : i32
      %cond3A_662 = arith.cmpi ne, %convert_element_type3A_660, %cond3A_661 : i32
      scf.if %cond3A_662 {
        %ge3A = arith.constant 10 : i32
        %ge3A_700 = arith.cmpi sge, %add3A_657, %ge3A : i32
        %convert_element_type3A_701 = arith.extui %ge3A_700 : i1 to i32
        %cond3A_702 = arith.constant 0 : i32
        %cond3A_703 = arith.cmpi ne, %convert_element_type3A_701, %cond3A_702 : i32
        scf.if %cond3A_703 {
          %dma_wait3A_718 = arith.constant 4 : i32
          %dma_wait3A_719 = arith.constant 4 : i32
          %dma_wait3A_720 = arith.constant 0 : i32
          %dma_wait3A_721 = arith.constant 0 : i32
          %dma_wait3A_722 = tpu.memref_slice %arg6[%dma_wait3A_718, %dma_wait3A_720, %dma_wait3A_721] : memref<10x128x64xf32, #tpu.memory_space<vmem>> -> memref<1x128x64xf32, #tpu.memory_space<vmem>>
          %dma_wait3A_723 = tpu.memref_squeeze %dma_wait3A_722 : memref<1x128x64xf32, #tpu.memory_space<vmem>> -> memref<128x64xf32, #tpu.memory_space<vmem>>
          %dma_wait3A_724 = arith.constant 0 : i32
          %dma_wait3A_725 = tpu.memref_slice %arg4[%mul3A_2, %dma_wait3A_724] : memref<819200x128xf32, #tpu.memory_space<hbm>> -> memref<128x64xf32, #tpu.memory_space<hbm>>
          %dma_wait3A_726 = tpu.memref_slice %arg8[%dma_wait3A_719] : memref<10x!tpu.dma_semaphore, #tpu.memory_space<semaphore_mem>> -> memref<1x!tpu.dma_semaphore, #tpu.memory_space<semaphore_mem>>
          %dma_wait3A_727 = tpu.memref_squeeze %dma_wait3A_726 : memref<1x!tpu.dma_semaphore, #tpu.memory_space<semaphore_mem>> -> memref<!tpu.dma_semaphore, #tpu.memory_space<semaphore_mem>>
          %dma_wait3A_728 = arith.constant 0 : i32
          %dma_wait3A_729 = tpu.memref_slice %arg4[%mul3A_2, %dma_wait3A_728] : memref<819200x128xf32, #tpu.memory_space<hbm>> -> memref<128x64xf32, #tpu.memory_space<hbm>>
          %dma_wait3A_730 = arith.constant 0 : i32
          %dma_wait3A_731 = arith.constant 0 : i32
          %dma_wait3A_732 = tpu.memref_slice %arg6[%dma_wait3A_718, %dma_wait3A_730, %dma_wait3A_731] : memref<10x128x64xf32, #tpu.memory_space<vmem>> -> memref<1x128x64xf32, #tpu.memory_space<vmem>>
          %dma_wait3A_733 = tpu.memref_squeeze %dma_wait3A_732 : memref<1x128x64xf32, #tpu.memory_space<vmem>> -> memref<128x64xf32, #tpu.memory_space<vmem>>
          tpu.wait_dma2 semaphore(%dma_wait3A_727 : memref<!tpu.dma_semaphore, #tpu.memory_space<semaphore_mem>>) src(%dma_wait3A_733 : memref<128x64xf32, #tpu.memory_space<vmem>>) dst(%dma_wait3A_729 : memref<128x64xf32, #tpu.memory_space<hbm>>)
        } else {
        }
        %dma_start3A_704 = arith.constant 4 : i32
        %dma_start3A_705 = arith.constant 4 : i32
        %dma_start3A_706 = arith.constant 0 : i32
        %dma_start3A_707 = arith.constant 0 : i32
        %dma_start3A_708 = tpu.memref_slice %arg6[%dma_start3A_704, %dma_start3A_706, %dma_start3A_707] : memref<10x128x64xf32, #tpu.memory_space<vmem>> -> memref<1x128x64xf32, #tpu.memory_space<vmem>>
        %dma_start3A_709 = tpu.memref_squeeze %dma_start3A_708 : memref<1x128x64xf32, #tpu.memory_space<vmem>> -> memref<128x64xf32, #tpu.memory_space<vmem>>
        %dma_start3A_710 = arith.constant 0 : i32
        %dma_start3A_711 = tpu.memref_slice %arg5[%add3A_657, %dma_start3A_710] : memref<200x128xi32, #tpu.memory_space<vmem>> -> memref<1x128xi32, #tpu.memory_space<vmem>>
        %dma_start3A_712 = tpu.memref_squeeze %dma_start3A_711 : memref<1x128xi32, #tpu.memory_space<vmem>> -> memref<128xi32, #tpu.memory_space<vmem>>
        %dma_start3A_713 = arith.constant 0 : i32
        %dma_start3A_714 = arith.constant 0 : i32
        %dma_start3A_715 = tpu.memref_slice %arg3[%dma_start3A_713, %dma_start3A_714] : memref<1000000x64xf32, #tpu.memory_space<hbm>> -> memref<1000000x64xf32, #tpu.memory_space<hbm>>
        %dma_start3A_716 = tpu.memref_slice %arg7[%dma_start3A_705] : memref<10x!tpu.dma_semaphore, #tpu.memory_space<semaphore_mem>> -> memref<1x!tpu.dma_semaphore, #tpu.memory_space<semaphore_mem>>
        %dma_start3A_717 = tpu.memref_squeeze %dma_start3A_716 : memref<1x!tpu.dma_semaphore, #tpu.memory_space<semaphore_mem>> -> memref<!tpu.dma_semaphore, #tpu.memory_space<semaphore_mem>>
        tpu.enqueue_indirect_dma source(%dma_start3A_715 : memref<1000000x64xf32, #tpu.memory_space<hbm>>) target(%dma_start3A_709 : memref<128x64xf32, #tpu.memory_space<vmem>>) offsets(%dma_start3A_712 : memref<128xi32, #tpu.memory_space<vmem>>) semaphore(%dma_start3A_717 : memref<!tpu.dma_semaphore, #tpu.memory_space<semaphore_mem>>)
      } else {
      }
      %dma_wait3A_663 = arith.constant 9 : i32
      %dma_wait3A_664 = arith.constant 9 : i32
      %dma_wait3A_665 = arith.constant 0 : i32
      %dma_wait3A_666 = arith.constant 0 : i32
      %dma_wait3A_667 = tpu.memref_slice %arg6[%dma_wait3A_663, %dma_wait3A_665, %dma_wait3A_666] : memref<10x128x64xf32, #tpu.memory_space<vmem>> -> memref<1x128x64xf32, #tpu.memory_space<vmem>>
      %dma_wait3A_668 = tpu.memref_squeeze %dma_wait3A_667 : memref<1x128x64xf32, #tpu.memory_space<vmem>> -> memref<128x64xf32, #tpu.memory_space<vmem>>
      %dma_wait3A_669 = arith.constant 0 : i32
      %dma_wait3A_670 = arith.constant 0 : i32
      %dma_wait3A_671 = tpu.memref_slice %arg3[%dma_wait3A_669, %dma_wait3A_670] : memref<1000000x64xf32, #tpu.memory_space<hbm>> -> memref<128x64xf32, #tpu.memory_space<hbm>>
      %dma_wait3A_672 = tpu.memref_slice %arg7[%dma_wait3A_664] : memref<10x!tpu.dma_semaphore, #tpu.memory_space<semaphore_mem>> -> memref<1x!tpu.dma_semaphore, #tpu.memory_space<semaphore_mem>>
      %dma_wait3A_673 = tpu.memref_squeeze %dma_wait3A_672 : memref<1x!tpu.dma_semaphore, #tpu.memory_space<semaphore_mem>> -> memref<!tpu.dma_semaphore, #tpu.memory_space<semaphore_mem>>
      %dma_wait3A_674 = arith.constant 0 : i32
      %dma_wait3A_675 = arith.constant 0 : i32
      %dma_wait3A_676 = tpu.memref_slice %arg6[%dma_wait3A_663, %dma_wait3A_674, %dma_wait3A_675] : memref<10x128x64xf32, #tpu.memory_space<vmem>> -> memref<1x128x64xf32, #tpu.memory_space<vmem>>
      %dma_wait3A_677 = tpu.memref_squeeze %dma_wait3A_676 : memref<1x128x64xf32, #tpu.memory_space<vmem>> -> memref<128x64xf32, #tpu.memory_space<vmem>>
      %dma_wait3A_678 = arith.constant 0 : i32
      %dma_wait3A_679 = arith.constant 0 : i32
      %dma_wait3A_680 = tpu.memref_slice %arg3[%dma_wait3A_678, %dma_wait3A_679] : memref<1000000x64xf32, #tpu.memory_space<hbm>> -> memref<128x64xf32, #tpu.memory_space<hbm>>
      tpu.wait_dma2 semaphore(%dma_wait3A_673 : memref<!tpu.dma_semaphore, #tpu.memory_space<semaphore_mem>>) src(%dma_wait3A_680 : memref<128x64xf32, #tpu.memory_space<hbm>>) dst(%dma_wait3A_677 : memref<128x64xf32, #tpu.memory_space<vmem>>)
      %mul3A_681 = arith.constant 128 : i32
      %mul3A_682 = arith.muli %add3A_655, %mul3A_681 : i32
      %add3A_683 = arith.addi %mul3A_2, %mul3A_682 : i32
      %dma_start3A_684 = arith.constant 9 : i32
      %dma_start3A_685 = arith.constant 9 : i32
      %dma_start3A_686 = arith.constant 0 : i32
      %dma_start3A_687 = arith.constant 0 : i32
      %dma_start3A_688 = tpu.memref_slice %arg6[%dma_start3A_684, %dma_start3A_686, %dma_start3A_687] : memref<10x128x64xf32, #tpu.memory_space<vmem>> -> memref<1x128x64xf32, #tpu.memory_space<vmem>>
      %dma_start3A_689 = tpu.memref_squeeze %dma_start3A_688 : memref<1x128x64xf32, #tpu.memory_space<vmem>> -> memref<128x64xf32, #tpu.memory_space<vmem>>
      %dma_start3A_690 = arith.constant 0 : i32
      %dma_start3A_691 = tpu.memref_slice %arg4[%add3A_683, %dma_start3A_690] : memref<819200x128xf32, #tpu.memory_space<hbm>> -> memref<128x64xf32, #tpu.memory_space<hbm>>
      %dma_start3A_692 = tpu.memref_slice %arg8[%dma_start3A_685] : memref<10x!tpu.dma_semaphore, #tpu.memory_space<semaphore_mem>> -> memref<1x!tpu.dma_semaphore, #tpu.memory_space<semaphore_mem>>
      %dma_start3A_693 = tpu.memref_squeeze %dma_start3A_692 : memref<1x!tpu.dma_semaphore, #tpu.memory_space<semaphore_mem>> -> memref<!tpu.dma_semaphore, #tpu.memory_space<semaphore_mem>>
      %dma_start3A_694 = arith.constant 0 : i32
      %dma_start3A_695 = tpu.memref_slice %arg4[%add3A_683, %dma_start3A_694] : memref<819200x128xf32, #tpu.memory_space<hbm>> -> memref<128x64xf32, #tpu.memory_space<hbm>>
      %dma_start3A_696 = arith.constant 0 : i32
      %dma_start3A_697 = arith.constant 0 : i32
      %dma_start3A_698 = tpu.memref_slice %arg6[%dma_start3A_684, %dma_start3A_696, %dma_start3A_697] : memref<10x128x64xf32, #tpu.memory_space<vmem>> -> memref<1x128x64xf32, #tpu.memory_space<vmem>>
      %dma_start3A_699 = tpu.memref_squeeze %dma_start3A_698 : memref<1x128x64xf32, #tpu.memory_space<vmem>> -> memref<128x64xf32, #tpu.memory_space<vmem>>
      tpu.enqueue_dma source(%dma_start3A_699 : memref<128x64xf32, #tpu.memory_space<vmem>>) target(%dma_start3A_695 : memref<128x64xf32, #tpu.memory_space<hbm>>) target_semaphore(%dma_start3A_693 : memref<!tpu.dma_semaphore, #tpu.memory_space<semaphore_mem>>)
    }
    %scan3A_80 = arith.constant 20 : i32
    %dma_wait3A = arith.constant 0 : i32
    %dma_wait3A_81 = arith.constant 0 : i32
    %dma_wait3A_82 = arith.constant 0 : i32
    %dma_wait3A_83 = arith.constant 0 : i32
    %dma_wait3A_84 = tpu.memref_slice %arg6[%dma_wait3A, %dma_wait3A_82, %dma_wait3A_83] : memref<10x128x64xf32, #tpu.memory_space<vmem>> -> memref<1x128x64xf32, #tpu.memory_space<vmem>>
    %dma_wait3A_85 = tpu.memref_squeeze %dma_wait3A_84 : memref<1x128x64xf32, #tpu.memory_space<vmem>> -> memref<128x64xf32, #tpu.memory_space<vmem>>
    %dma_wait3A_86 = arith.constant 0 : i32
    %dma_wait3A_87 = tpu.memref_slice %arg4[%mul3A_2, %dma_wait3A_86] : memref<819200x128xf32, #tpu.memory_space<hbm>> -> memref<128x64xf32, #tpu.memory_space<hbm>>
    %dma_wait3A_88 = tpu.memref_slice %arg8[%dma_wait3A_81] : memref<10x!tpu.dma_semaphore, #tpu.memory_space<semaphore_mem>> -> memref<1x!tpu.dma_semaphore, #tpu.memory_space<semaphore_mem>>
    %dma_wait3A_89 = tpu.memref_squeeze %dma_wait3A_88 : memref<1x!tpu.dma_semaphore, #tpu.memory_space<semaphore_mem>> -> memref<!tpu.dma_semaphore, #tpu.memory_space<semaphore_mem>>
    %dma_wait3A_90 = arith.constant 0 : i32
    %dma_wait3A_91 = tpu.memref_slice %arg4[%mul3A_2, %dma_wait3A_90] : memref<819200x128xf32, #tpu.memory_space<hbm>> -> memref<128x64xf32, #tpu.memory_space<hbm>>
    %dma_wait3A_92 = arith.constant 0 : i32
    %dma_wait3A_93 = arith.constant 0 : i32
    %dma_wait3A_94 = tpu.memref_slice %arg6[%dma_wait3A, %dma_wait3A_92, %dma_wait3A_93] : memref<10x128x64xf32, #tpu.memory_space<vmem>> -> memref<1x128x64xf32, #tpu.memory_space<vmem>>
    %dma_wait3A_95 = tpu.memref_squeeze %dma_wait3A_94 : memref<1x128x64xf32, #tpu.memory_space<vmem>> -> memref<128x64xf32, #tpu.memory_space<vmem>>
    tpu.wait_dma2 semaphore(%dma_wait3A_89 : memref<!tpu.dma_semaphore, #tpu.memory_space<semaphore_mem>>) src(%dma_wait3A_95 : memref<128x64xf32, #tpu.memory_space<vmem>>) dst(%dma_wait3A_91 : memref<128x64xf32, #tpu.memory_space<hbm>>)
    %dma_wait3A_96 = arith.constant 1 : i32
    %dma_wait3A_97 = arith.constant 1 : i32
    %dma_wait3A_98 = arith.constant 0 : i32
    %dma_wait3A_99 = arith.constant 0 : i32
    %dma_wait3A_100 = tpu.memref_slice %arg6[%dma_wait3A_96, %dma_wait3A_98, %dma_wait3A_99] : memref<10x128x64xf32, #tpu.memory_space<vmem>> -> memref<1x128x64xf32, #tpu.memory_space<vmem>>
    %dma_wait3A_101 = tpu.memref_squeeze %dma_wait3A_100 : memref<1x128x64xf32, #tpu.memory_space<vmem>> -> memref<128x64xf32, #tpu.memory_space<vmem>>
    %dma_wait3A_102 = arith.constant 0 : i32
    %dma_wait3A_103 = tpu.memref_slice %arg4[%mul3A_2, %dma_wait3A_102] : memref<819200x128xf32, #tpu.memory_space<hbm>> -> memref<128x64xf32, #tpu.memory_space<hbm>>
    %dma_wait3A_104 = tpu.memref_slice %arg8[%dma_wait3A_97] : memref<10x!tpu.dma_semaphore, #tpu.memory_space<semaphore_mem>> -> memref<1x!tpu.dma_semaphore, #tpu.memory_space<semaphore_mem>>
    %dma_wait3A_105 = tpu.memref_squeeze %dma_wait3A_104 : memref<1x!tpu.dma_semaphore, #tpu.memory_space<semaphore_mem>> -> memref<!tpu.dma_semaphore, #tpu.memory_space<semaphore_mem>>
    %dma_wait3A_106 = arith.constant 0 : i32
    %dma_wait3A_107 = tpu.memref_slice %arg4[%mul3A_2, %dma_wait3A_106] : memref<819200x128xf32, #tpu.memory_space<hbm>> -> memref<128x64xf32, #tpu.memory_space<hbm>>
    %dma_wait3A_108 = arith.constant 0 : i32
    %dma_wait3A_109 = arith.constant 0 : i32
    %dma_wait3A_110 = tpu.memref_slice %arg6[%dma_wait3A_96, %dma_wait3A_108, %dma_wait3A_109] : memref<10x128x64xf32, #tpu.memory_space<vmem>> -> memref<1x128x64xf32, #tpu.memory_space<vmem>>
    %dma_wait3A_111 = tpu.memref_squeeze %dma_wait3A_110 : memref<1x128x64xf32, #tpu.memory_space<vmem>> -> memref<128x64xf32, #tpu.memory_space<vmem>>
    tpu.wait_dma2 semaphore(%dma_wait3A_105 : memref<!tpu.dma_semaphore, #tpu.memory_space<semaphore_mem>>) src(%dma_wait3A_111 : memref<128x64xf32, #tpu.memory_space<vmem>>) dst(%dma_wait3A_107 : memref<128x64xf32, #tpu.memory_space<hbm>>)
    %dma_wait3A_112 = arith.constant 2 : i32
    %dma_wait3A_113 = arith.constant 2 : i32
    %dma_wait3A_114 = arith.constant 0 : i32
    %dma_wait3A_115 = arith.constant 0 : i32
    %dma_wait3A_116 = tpu.memref_slice %arg6[%dma_wait3A_112, %dma_wait3A_114, %dma_wait3A_115] : memref<10x128x64xf32, #tpu.memory_space<vmem>> -> memref<1x128x64xf32, #tpu.memory_space<vmem>>
    %dma_wait3A_117 = tpu.memref_squeeze %dma_wait3A_116 : memref<1x128x64xf32, #tpu.memory_space<vmem>> -> memref<128x64xf32, #tpu.memory_space<vmem>>
    %dma_wait3A_118 = arith.constant 0 : i32
    %dma_wait3A_119 = tpu.memref_slice %arg4[%mul3A_2, %dma_wait3A_118] : memref<819200x128xf32, #tpu.memory_space<hbm>> -> memref<128x64xf32, #tpu.memory_space<hbm>>
    %dma_wait3A_120 = tpu.memref_slice %arg8[%dma_wait3A_113] : memref<10x!tpu.dma_semaphore, #tpu.memory_space<semaphore_mem>> -> memref<1x!tpu.dma_semaphore, #tpu.memory_space<semaphore_mem>>
    %dma_wait3A_121 = tpu.memref_squeeze %dma_wait3A_120 : memref<1x!tpu.dma_semaphore, #tpu.memory_space<semaphore_mem>> -> memref<!tpu.dma_semaphore, #tpu.memory_space<semaphore_mem>>
    %dma_wait3A_122 = arith.constant 0 : i32
    %dma_wait3A_123 = tpu.memref_slice %arg4[%mul3A_2, %dma_wait3A_122] : memref<819200x128xf32, #tpu.memory_space<hbm>> -> memref<128x64xf32, #tpu.memory_space<hbm>>
    %dma_wait3A_124 = arith.constant 0 : i32
    %dma_wait3A_125 = arith.constant 0 : i32
    %dma_wait3A_126 = tpu.memref_slice %arg6[%dma_wait3A_112, %dma_wait3A_124, %dma_wait3A_125] : memref<10x128x64xf32, #tpu.memory_space<vmem>> -> memref<1x128x64xf32, #tpu.memory_space<vmem>>
    %dma_wait3A_127 = tpu.memref_squeeze %dma_wait3A_126 : memref<1x128x64xf32, #tpu.memory_space<vmem>> -> memref<128x64xf32, #tpu.memory_space<vmem>>
    tpu.wait_dma2 semaphore(%dma_wait3A_121 : memref<!tpu.dma_semaphore, #tpu.memory_space<semaphore_mem>>) src(%dma_wait3A_127 : memref<128x64xf32, #tpu.memory_space<vmem>>) dst(%dma_wait3A_123 : memref<128x64xf32, #tpu.memory_space<hbm>>)
    %dma_wait3A_128 = arith.constant 3 : i32
    %dma_wait3A_129 = arith.constant 3 : i32
    %dma_wait3A_130 = arith.constant 0 : i32
    %dma_wait3A_131 = arith.constant 0 : i32
    %dma_wait3A_132 = tpu.memref_slice %arg6[%dma_wait3A_128, %dma_wait3A_130, %dma_wait3A_131] : memref<10x128x64xf32, #tpu.memory_space<vmem>> -> memref<1x128x64xf32, #tpu.memory_space<vmem>>
    %dma_wait3A_133 = tpu.memref_squeeze %dma_wait3A_132 : memref<1x128x64xf32, #tpu.memory_space<vmem>> -> memref<128x64xf32, #tpu.memory_space<vmem>>
    %dma_wait3A_134 = arith.constant 0 : i32
    %dma_wait3A_135 = tpu.memref_slice %arg4[%mul3A_2, %dma_wait3A_134] : memref<819200x128xf32, #tpu.memory_space<hbm>> -> memref<128x64xf32, #tpu.memory_space<hbm>>
    %dma_wait3A_136 = tpu.memref_slice %arg8[%dma_wait3A_129] : memref<10x!tpu.dma_semaphore, #tpu.memory_space<semaphore_mem>> -> memref<1x!tpu.dma_semaphore, #tpu.memory_space<semaphore_mem>>
    %dma_wait3A_137 = tpu.memref_squeeze %dma_wait3A_136 : memref<1x!tpu.dma_semaphore, #tpu.memory_space<semaphore_mem>> -> memref<!tpu.dma_semaphore, #tpu.memory_space<semaphore_mem>>
    %dma_wait3A_138 = arith.constant 0 : i32
    %dma_wait3A_139 = tpu.memref_slice %arg4[%mul3A_2, %dma_wait3A_138] : memref<819200x128xf32, #tpu.memory_space<hbm>> -> memref<128x64xf32, #tpu.memory_space<hbm>>
    %dma_wait3A_140 = arith.constant 0 : i32
    %dma_wait3A_141 = arith.constant 0 : i32
    %dma_wait3A_142 = tpu.memref_slice %arg6[%dma_wait3A_128, %dma_wait3A_140, %dma_wait3A_141] : memref<10x128x64xf32, #tpu.memory_space<vmem>> -> memref<1x128x64xf32, #tpu.memory_space<vmem>>
    %dma_wait3A_143 = tpu.memref_squeeze %dma_wait3A_142 : memref<1x128x64xf32, #tpu.memory_space<vmem>> -> memref<128x64xf32, #tpu.memory_space<vmem>>
    tpu.wait_dma2 semaphore(%dma_wait3A_137 : memref<!tpu.dma_semaphore, #tpu.memory_space<semaphore_mem>>) src(%dma_wait3A_143 : memref<128x64xf32, #tpu.memory_space<vmem>>) dst(%dma_wait3A_139 : memref<128x64xf32, #tpu.memory_space<hbm>>)
    %dma_wait3A_144 = arith.constant 4 : i32
    %dma_wait3A_145 = arith.constant 4 : i32
    %dma_wait3A_146 = arith.constant 0 : i32
    %dma_wait3A_147 = arith.constant 0 : i32
    %dma_wait3A_148 = tpu.memref_slice %arg6[%dma_wait3A_144, %dma_wait3A_146, %dma_wait3A_147] : memref<10x128x64xf32, #tpu.memory_space<vmem>> -> memref<1x128x64xf32, #tpu.memory_space<vmem>>
    %dma_wait3A_149 = tpu.memref_squeeze %dma_wait3A_148 : memref<1x128x64xf32, #tpu.memory_space<vmem>> -> memref<128x64xf32, #tpu.memory_space<vmem>>
    %dma_wait3A_150 = arith.constant 0 : i32
    %dma_wait3A_151 = tpu.memref_slice %arg4[%mul3A_2, %dma_wait3A_150] : memref<819200x128xf32, #tpu.memory_space<hbm>> -> memref<128x64xf32, #tpu.memory_space<hbm>>
    %dma_wait3A_152 = tpu.memref_slice %arg8[%dma_wait3A_145] : memref<10x!tpu.dma_semaphore, #tpu.memory_space<semaphore_mem>> -> memref<1x!tpu.dma_semaphore, #tpu.memory_space<semaphore_mem>>
    %dma_wait3A_153 = tpu.memref_squeeze %dma_wait3A_152 : memref<1x!tpu.dma_semaphore, #tpu.memory_space<semaphore_mem>> -> memref<!tpu.dma_semaphore, #tpu.memory_space<semaphore_mem>>
    %dma_wait3A_154 = arith.constant 0 : i32
    %dma_wait3A_155 = tpu.memref_slice %arg4[%mul3A_2, %dma_wait3A_154] : memref<819200x128xf32, #tpu.memory_space<hbm>> -> memref<128x64xf32, #tpu.memory_space<hbm>>
    %dma_wait3A_156 = arith.constant 0 : i32
    %dma_wait3A_157 = arith.constant 0 : i32
    %dma_wait3A_158 = tpu.memref_slice %arg6[%dma_wait3A_144, %dma_wait3A_156, %dma_wait3A_157] : memref<10x128x64xf32, #tpu.memory_space<vmem>> -> memref<1x128x64xf32, #tpu.memory_space<vmem>>
    %dma_wait3A_159 = tpu.memref_squeeze %dma_wait3A_158 : memref<1x128x64xf32, #tpu.memory_space<vmem>> -> memref<128x64xf32, #tpu.memory_space<vmem>>
    tpu.wait_dma2 semaphore(%dma_wait3A_153 : memref<!tpu.dma_semaphore, #tpu.memory_space<semaphore_mem>>) src(%dma_wait3A_159 : memref<128x64xf32, #tpu.memory_space<vmem>>) dst(%dma_wait3A_155 : memref<128x64xf32, #tpu.memory_space<hbm>>)
    %dma_wait3A_160 = arith.constant 5 : i32
    %dma_wait3A_161 = arith.constant 5 : i32
    %dma_wait3A_162 = arith.constant 0 : i32
    %dma_wait3A_163 = arith.constant 0 : i32
    %dma_wait3A_164 = tpu.memref_slice %arg6[%dma_wait3A_160, %dma_wait3A_162, %dma_wait3A_163] : memref<10x128x64xf32, #tpu.memory_space<vmem>> -> memref<1x128x64xf32, #tpu.memory_space<vmem>>
    %dma_wait3A_165 = tpu.memref_squeeze %dma_wait3A_164 : memref<1x128x64xf32, #tpu.memory_space<vmem>> -> memref<128x64xf32, #tpu.memory_space<vmem>>
    %dma_wait3A_166 = arith.constant 0 : i32
    %dma_wait3A_167 = tpu.memref_slice %arg4[%mul3A_2, %dma_wait3A_166] : memref<819200x128xf32, #tpu.memory_space<hbm>> -> memref<128x64xf32, #tpu.memory_space<hbm>>
    %dma_wait3A_168 = tpu.memref_slice %arg8[%dma_wait3A_161] : memref<10x!tpu.dma_semaphore, #tpu.memory_space<semaphore_mem>> -> memref<1x!tpu.dma_semaphore, #tpu.memory_space<semaphore_mem>>
    %dma_wait3A_169 = tpu.memref_squeeze %dma_wait3A_168 : memref<1x!tpu.dma_semaphore, #tpu.memory_space<semaphore_mem>> -> memref<!tpu.dma_semaphore, #tpu.memory_space<semaphore_mem>>
    %dma_wait3A_170 = arith.constant 0 : i32
    %dma_wait3A_171 = tpu.memref_slice %arg4[%mul3A_2, %dma_wait3A_170] : memref<819200x128xf32, #tpu.memory_space<hbm>> -> memref<128x64xf32, #tpu.memory_space<hbm>>
    %dma_wait3A_172 = arith.constant 0 : i32
    %dma_wait3A_173 = arith.constant 0 : i32
    %dma_wait3A_174 = tpu.memref_slice %arg6[%dma_wait3A_160, %dma_wait3A_172, %dma_wait3A_173] : memref<10x128x64xf32, #tpu.memory_space<vmem>> -> memref<1x128x64xf32, #tpu.memory_space<vmem>>
    %dma_wait3A_175 = tpu.memref_squeeze %dma_wait3A_174 : memref<1x128x64xf32, #tpu.memory_space<vmem>> -> memref<128x64xf32, #tpu.memory_space<vmem>>
    tpu.wait_dma2 semaphore(%dma_wait3A_169 : memref<!tpu.dma_semaphore, #tpu.memory_space<semaphore_mem>>) src(%dma_wait3A_175 : memref<128x64xf32, #tpu.memory_space<vmem>>) dst(%dma_wait3A_171 : memref<128x64xf32, #tpu.memory_space<hbm>>)
    %dma_wait3A_176 = arith.constant 6 : i32
    %dma_wait3A_177 = arith.constant 6 : i32
    %dma_wait3A_178 = arith.constant 0 : i32
    %dma_wait3A_179 = arith.constant 0 : i32
    %dma_wait3A_180 = tpu.memref_slice %arg6[%dma_wait3A_176, %dma_wait3A_178, %dma_wait3A_179] : memref<10x128x64xf32, #tpu.memory_space<vmem>> -> memref<1x128x64xf32, #tpu.memory_space<vmem>>
    %dma_wait3A_181 = tpu.memref_squeeze %dma_wait3A_180 : memref<1x128x64xf32, #tpu.memory_space<vmem>> -> memref<128x64xf32, #tpu.memory_space<vmem>>
    %dma_wait3A_182 = arith.constant 0 : i32
    %dma_wait3A_183 = tpu.memref_slice %arg4[%mul3A_2, %dma_wait3A_182] : memref<819200x128xf32, #tpu.memory_space<hbm>> -> memref<128x64xf32, #tpu.memory_space<hbm>>
    %dma_wait3A_184 = tpu.memref_slice %arg8[%dma_wait3A_177] : memref<10x!tpu.dma_semaphore, #tpu.memory_space<semaphore_mem>> -> memref<1x!tpu.dma_semaphore, #tpu.memory_space<semaphore_mem>>
    %dma_wait3A_185 = tpu.memref_squeeze %dma_wait3A_184 : memref<1x!tpu.dma_semaphore, #tpu.memory_space<semaphore_mem>> -> memref<!tpu.dma_semaphore, #tpu.memory_space<semaphore_mem>>
    %dma_wait3A_186 = arith.constant 0 : i32
    %dma_wait3A_187 = tpu.memref_slice %arg4[%mul3A_2, %dma_wait3A_186] : memref<819200x128xf32, #tpu.memory_space<hbm>> -> memref<128x64xf32, #tpu.memory_space<hbm>>
    %dma_wait3A_188 = arith.constant 0 : i32
    %dma_wait3A_189 = arith.constant 0 : i32
    %dma_wait3A_190 = tpu.memref_slice %arg6[%dma_wait3A_176, %dma_wait3A_188, %dma_wait3A_189] : memref<10x128x64xf32, #tpu.memory_space<vmem>> -> memref<1x128x64xf32, #tpu.memory_space<vmem>>
    %dma_wait3A_191 = tpu.memref_squeeze %dma_wait3A_190 : memref<1x128x64xf32, #tpu.memory_space<vmem>> -> memref<128x64xf32, #tpu.memory_space<vmem>>
    tpu.wait_dma2 semaphore(%dma_wait3A_185 : memref<!tpu.dma_semaphore, #tpu.memory_space<semaphore_mem>>) src(%dma_wait3A_191 : memref<128x64xf32, #tpu.memory_space<vmem>>) dst(%dma_wait3A_187 : memref<128x64xf32, #tpu.memory_space<hbm>>)
    %dma_wait3A_192 = arith.constant 7 : i32
    %dma_wait3A_193 = arith.constant 7 : i32
    %dma_wait3A_194 = arith.constant 0 : i32
    %dma_wait3A_195 = arith.constant 0 : i32
    %dma_wait3A_196 = tpu.memref_slice %arg6[%dma_wait3A_192, %dma_wait3A_194, %dma_wait3A_195] : memref<10x128x64xf32, #tpu.memory_space<vmem>> -> memref<1x128x64xf32, #tpu.memory_space<vmem>>
    %dma_wait3A_197 = tpu.memref_squeeze %dma_wait3A_196 : memref<1x128x64xf32, #tpu.memory_space<vmem>> -> memref<128x64xf32, #tpu.memory_space<vmem>>
    %dma_wait3A_198 = arith.constant 0 : i32
    %dma_wait3A_199 = tpu.memref_slice %arg4[%mul3A_2, %dma_wait3A_198] : memref<819200x128xf32, #tpu.memory_space<hbm>> -> memref<128x64xf32, #tpu.memory_space<hbm>>
    %dma_wait3A_200 = tpu.memref_slice %arg8[%dma_wait3A_193] : memref<10x!tpu.dma_semaphore, #tpu.memory_space<semaphore_mem>> -> memref<1x!tpu.dma_semaphore, #tpu.memory_space<semaphore_mem>>
    %dma_wait3A_201 = tpu.memref_squeeze %dma_wait3A_200 : memref<1x!tpu.dma_semaphore, #tpu.memory_space<semaphore_mem>> -> memref<!tpu.dma_semaphore, #tpu.memory_space<semaphore_mem>>
    %dma_wait3A_202 = arith.constant 0 : i32
    %dma_wait3A_203 = tpu.memref_slice %arg4[%mul3A_2, %dma_wait3A_202] : memref<819200x128xf32, #tpu.memory_space<hbm>> -> memref<128x64xf32, #tpu.memory_space<hbm>>
    %dma_wait3A_204 = arith.constant 0 : i32
    %dma_wait3A_205 = arith.constant 0 : i32
    %dma_wait3A_206 = tpu.memref_slice %arg6[%dma_wait3A_192, %dma_wait3A_204, %dma_wait3A_205] : memref<10x128x64xf32, #tpu.memory_space<vmem>> -> memref<1x128x64xf32, #tpu.memory_space<vmem>>
    %dma_wait3A_207 = tpu.memref_squeeze %dma_wait3A_206 : memref<1x128x64xf32, #tpu.memory_space<vmem>> -> memref<128x64xf32, #tpu.memory_space<vmem>>
    tpu.wait_dma2 semaphore(%dma_wait3A_201 : memref<!tpu.dma_semaphore, #tpu.memory_space<semaphore_mem>>) src(%dma_wait3A_207 : memref<128x64xf32, #tpu.memory_space<vmem>>) dst(%dma_wait3A_203 : memref<128x64xf32, #tpu.memory_space<hbm>>)
    %dma_wait3A_208 = arith.constant 8 : i32
    %dma_wait3A_209 = arith.constant 8 : i32
    %dma_wait3A_210 = arith.constant 0 : i32
    %dma_wait3A_211 = arith.constant 0 : i32
    %dma_wait3A_212 = tpu.memref_slice %arg6[%dma_wait3A_208, %dma_wait3A_210, %dma_wait3A_211] : memref<10x128x64xf32, #tpu.memory_space<vmem>> -> memref<1x128x64xf32, #tpu.memory_space<vmem>>
    %dma_wait3A_213 = tpu.memref_squeeze %dma_wait3A_212 : memref<1x128x64xf32, #tpu.memory_space<vmem>> -> memref<128x64xf32, #tpu.memory_space<vmem>>
    %dma_wait3A_214 = arith.constant 0 : i32
    %dma_wait3A_215 = tpu.memref_slice %arg4[%mul3A_2, %dma_wait3A_214] : memref<819200x128xf32, #tpu.memory_space<hbm>> -> memref<128x64xf32, #tpu.memory_space<hbm>>
    %dma_wait3A_216 = tpu.memref_slice %arg8[%dma_wait3A_209] : memref<10x!tpu.dma_semaphore, #tpu.memory_space<semaphore_mem>> -> memref<1x!tpu.dma_semaphore, #tpu.memory_space<semaphore_mem>>
    %dma_wait3A_217 = tpu.memref_squeeze %dma_wait3A_216 : memref<1x!tpu.dma_semaphore, #tpu.memory_space<semaphore_mem>> -> memref<!tpu.dma_semaphore, #tpu.memory_space<semaphore_mem>>
    %dma_wait3A_218 = arith.constant 0 : i32
    %dma_wait3A_219 = tpu.memref_slice %arg4[%mul3A_2, %dma_wait3A_218] : memref<819200x128xf32, #tpu.memory_space<hbm>> -> memref<128x64xf32, #tpu.memory_space<hbm>>
    %dma_wait3A_220 = arith.constant 0 : i32
    %dma_wait3A_221 = arith.constant 0 : i32
    %dma_wait3A_222 = tpu.memref_slice %arg6[%dma_wait3A_208, %dma_wait3A_220, %dma_wait3A_221] : memref<10x128x64xf32, #tpu.memory_space<vmem>> -> memref<1x128x64xf32, #tpu.memory_space<vmem>>
    %dma_wait3A_223 = tpu.memref_squeeze %dma_wait3A_222 : memref<1x128x64xf32, #tpu.memory_space<vmem>> -> memref<128x64xf32, #tpu.memory_space<vmem>>
    tpu.wait_dma2 semaphore(%dma_wait3A_217 : memref<!tpu.dma_semaphore, #tpu.memory_space<semaphore_mem>>) src(%dma_wait3A_223 : memref<128x64xf32, #tpu.memory_space<vmem>>) dst(%dma_wait3A_219 : memref<128x64xf32, #tpu.memory_space<hbm>>)
    %dma_wait3A_224 = arith.constant 9 : i32
    %dma_wait3A_225 = arith.constant 9 : i32
    %dma_wait3A_226 = arith.constant 0 : i32
    %dma_wait3A_227 = arith.constant 0 : i32
    %dma_wait3A_228 = tpu.memref_slice %arg6[%dma_wait3A_224, %dma_wait3A_226, %dma_wait3A_227] : memref<10x128x64xf32, #tpu.memory_space<vmem>> -> memref<1x128x64xf32, #tpu.memory_space<vmem>>
    %dma_wait3A_229 = tpu.memref_squeeze %dma_wait3A_228 : memref<1x128x64xf32, #tpu.memory_space<vmem>> -> memref<128x64xf32, #tpu.memory_space<vmem>>
    %dma_wait3A_230 = arith.constant 0 : i32
    %dma_wait3A_231 = tpu.memref_slice %arg4[%mul3A_2, %dma_wait3A_230] : memref<819200x128xf32, #tpu.memory_space<hbm>> -> memref<128x64xf32, #tpu.memory_space<hbm>>
    %dma_wait3A_232 = tpu.memref_slice %arg8[%dma_wait3A_225] : memref<10x!tpu.dma_semaphore, #tpu.memory_space<semaphore_mem>> -> memref<1x!tpu.dma_semaphore, #tpu.memory_space<semaphore_mem>>
    %dma_wait3A_233 = tpu.memref_squeeze %dma_wait3A_232 : memref<1x!tpu.dma_semaphore, #tpu.memory_space<semaphore_mem>> -> memref<!tpu.dma_semaphore, #tpu.memory_space<semaphore_mem>>
    %dma_wait3A_234 = arith.constant 0 : i32
    %dma_wait3A_235 = tpu.memref_slice %arg4[%mul3A_2, %dma_wait3A_234] : memref<819200x128xf32, #tpu.memory_space<hbm>> -> memref<128x64xf32, #tpu.memory_space<hbm>>
    %dma_wait3A_236 = arith.constant 0 : i32
    %dma_wait3A_237 = arith.constant 0 : i32
    %dma_wait3A_238 = tpu.memref_slice %arg6[%dma_wait3A_224, %dma_wait3A_236, %dma_wait3A_237] : memref<10x128x64xf32, #tpu.memory_space<vmem>> -> memref<1x128x64xf32, #tpu.memory_space<vmem>>
    %dma_wait3A_239 = tpu.memref_squeeze %dma_wait3A_238 : memref<1x128x64xf32, #tpu.memory_space<vmem>> -> memref<128x64xf32, #tpu.memory_space<vmem>>
    tpu.wait_dma2 semaphore(%dma_wait3A_233 : memref<!tpu.dma_semaphore, #tpu.memory_space<semaphore_mem>>) src(%dma_wait3A_239 : memref<128x64xf32, #tpu.memory_space<vmem>>) dst(%dma_wait3A_235 : memref<128x64xf32, #tpu.memory_space<hbm>>)
    return
  }
}

</mosaic_0001>

<sc_bundles>
// kernel: kernel.3.cloned.1.call-start
scs
__scs_entry_jumppad:
0x0: {  	(pc) =	sbr.rel $0x88, $3  }
0x1: {  	(tag) =	ssettag $0x0;
	lr =	simm.s32 $0x1  }
0x2: {  	[smem:$0x3F9F] =	sst lr;
	_ =	strace $0xD0000000  }
0x3: {  	_ = 	snop  }
0x4: {  	_ = 	snop  }
0x5: {  	_ = 	snop  }
0x6: {  	_ = 	snop  }
0x7: {  	_ = 	snop  }
__scs_overlays_trampoline_lowered:
0x8: {  	[smem:$0x3FAE] =	sst s0  }
0x9: {  	[smem:$0x3FAF] =	sst s1  }
0xa: {  	[smem:$0x3FB0] =	sst s2  }
0xb: {  	[smem:$0x3FB1] =	sst s3  }
0xc: {  	[smem:$0x3FB2] =	sst s4  }
0xd: {  	[smem:$0x3FB3] =	sst s5  }
0xe: {  	[smem:$0x3FB4] =	sst s6  }
0xf: {  	[smem:$0x3FB5] =	sst s7  }
0x10: {  	[smem:$0x3FB6] =	sst s8  }
0x11: {  	[smem:$0x3FB7] =	sst s9;
	s0 =	simm.s32 @!p0 $0x0  }
0x12: {  	s1 =	sld [smem:$0x3F9D];
	s0 =	simm.s32 @p0 $0x1  }
0x13: {  	[smem:$0x3FB8] =	sst s0;
	s0 =	simm.s32 @!p1 $0x0  }
0x14: {  	s2 =	sld [smem:$0x3F9C];
	s0 =	simm.s32 @p1 $0x1  }
0x15: {  	[smem:$0x3FB9] =	sst s0;
	s0 =	simm.s32 @!p2 $0x0  }
0x16: {  	s3 =	sld [smem:$0x3FDB];
	s0 =	simm.s32 @p2 $0x1  }
0x17: {  	s4 =	simm.s32 $0x1BF5;
	[smem:$0x3FBB] =	sst s0  }
0x18: {  	s0 =	sld [smem:$0x3F9E];
	_ =	swait.ge [sflag:s4], $0x0  }
0x19: {  	s7 =	sld [smem:$0x3F9F]  }
0x1a: {  	s8 =	sadd.s32 $0xFFFFE003, lr  }
0x1b: {  	s9 =	sadd.s32 $0xFFFFFEF7, lr;
	s5 =	simm.s32 $0xFFFFFFFF;
	p2 =	slt.u32 s8, $0xFFFFF086  }
0x1c: {  	p1 =	slt.u32 s9, $0xF7A;
	s5 =	simm.s32 @!p2 $0x0  }
0x1d: {  	s5 =	simm.s32 @p1 $0x1;
	p0 =	seq.s32 s7, s2  }
0x1e: {  	s7 =	smul.u32 @!p0 $0xF7A, s2;
	p2 =	seq.s32 @!p0 s5, $0x0  }
0x1f: {  	s9 =	smul.u32 $0xF7A, s1;
	s8 =	simm.s32 @!p0 $0x1BF5;
	p2 =	por !p2, p0  }
0x20: {  	[sflag:s8] =	ssyncset.s32 @!p0 $0xFFFFF086;
	s6 =	sadd.s32 @!p0 s3, s7;
	s7 =	simm.s32 @!p0 $0x108  }
0x21: {  	s3 =	sadd.s32 s3, s9;
	s6 =	sadd.s32 @!p0 $0x88, s6;
	s7 =	simm.s32 @p2 $0x1082  }
0x22: {  	[simem:s7], [sflag:s8] =	dma.local @!p0 [hbm:s6], $0xF7A  }
0x23: {  	s9 =	sor.u32 $0xD0000000, s2;
	s6 =	simm.s32 $0x108;
	_ =	swait.ge @!p0 [sflag:s8], $0x0  }
0x24: {  	s3 =	sadd.s32 $0x88, s3;
	s6 =	simm.s32 @!p1 $0x1082;
	[sflag:s4] =	ssyncset.s32 $0xFFFFF086  }
0x25: {  	[simem:s6], [sflag:s4] =	dma.local [hbm:s3], $0xF7A  }
0x26: {  	[smem:$0x3F9F] =	sst s1;
	(tag) =	ssettag s2;
	_ =	strace s9  }
0x27: {  	s1 =	sld [smem:$0x3FAF]  }
0x28: {  	s2 =	sld [smem:$0x3FB0]  }
0x29: {  	s4 =	sld [smem:$0x3FB2]  }
0x2a: {  	p0 =	seq.s32 s5, $0x0;
	s5 =	sld [smem:$0x3FB3]  }
0x2b: {  	s6 =	sld [smem:$0x3FB4]  }
0x2c: {  	s7 =	sld [smem:$0x3FB5]  }
0x2d: {  	s3 =	simm.s32 $0x108;
	s8 =	sld [smem:$0x3FB6]  }
0x2e: {  	s3 =	simm.s32 @!p0 $0x1082;
	s9 =	sld [smem:$0x3FB7]  }
0x2f: {  	lr =	sadd.s32 s0, s3;
	s0 =	sld [smem:$0x3FAE]  }
0x30: {  	s3 =	sld [smem:$0x3FB1]  }
0x31: {  	[smem:$0x3FBA] =	sst s10  }
0x32: {  	s10 =	sld [smem:$0x3FB8];
	_ =	sdelay $0x3  }
0x33: {  	p0 =	seq.s32 s10, $0x1;
	s10 =	sld [smem:$0x3FBA];
	_ =	sdelay $0x3  }
0x34: {  	[smem:$0x3FBA] =	sst s10  }
0x35: {  	s10 =	sld [smem:$0x3FB9];
	_ =	sdelay $0x3  }
0x36: {  	p1 =	seq.s32 s10, $0x1;
	s10 =	sld [smem:$0x3FBA];
	_ =	sdelay $0x3  }
0x37: {  	[smem:$0x3FBA] =	sst s10  }
0x38: {  	s10 =	sld [smem:$0x3FBB]  }
0x39: {  	_ = 	snop;
	(pc) =	sbr.ind lr, $3  }
0x3a: {  	_ = 	snop  }
0x3b: {  	_ = 	snop  }
0x3c: {  	p2 =	seq.s32 s10, $0x1;
	s10 =	sld [smem:$0x3FBA]  }
0x3d: {  	_ =	shalt  }
0x3e: {  	_ =	shalt  }
0x3f: {  	_ =	shalt  }
0x40: {  	_ =	shalt  }
0x41: {  	_ =	shalt  }
0x42: {  	_ =	shalt  }
0x43: {  	_ =	shalt  }
0x44: {  	_ =	shalt  }
0x45: {  	_ =	shalt  }
0x46: {  	_ =	shalt  }
0x47: {  	_ =	shalt  }
0x48: {  	_ =	shalt  }
0x49: {  	_ =	shalt  }
0x4a: {  	_ =	shalt  }
0x4b: {  	_ =	shalt  }
0x4c: {  	_ =	shalt  }
0x4d: {  	_ =	shalt  }
0x4e: {  	_ =	shalt  }
0x4f: {  	_ =	shalt  }
0x50: {  	_ =	shalt  }
0x51: {  	_ =	shalt  }
0x52: {  	_ =	shalt  }
0x53: {  	_ =	shalt  }
0x54: {  	_ =	shalt  }
0x55: {  	_ =	shalt  }
0x56: {  	_ =	shalt  }
0x57: {  	_ =	shalt  }
0x58: {  	_ =	shalt  }
0x59: {  	_ =	shalt  }
0x5a: {  	_ =	shalt  }
0x5b: {  	_ =	shalt  }
0x5c: {  	_ =	shalt  }
0x5d: {  	_ =	shalt  }
0x5e: {  	_ =	shalt  }
0x5f: {  	_ =	shalt  }
0x60: {  	_ =	shalt  }
0x61: {  	_ =	shalt  }
0x62: {  	_ =	shalt  }
0x63: {  	_ =	shalt  }
0x64: {  	_ =	shalt  }
0x65: {  	_ =	shalt  }
0x66: {  	_ =	shalt  }
0x67: {  	_ =	shalt  }
0x68: {  	_ =	shalt  }
0x69: {  	_ =	shalt  }
0x6a: {  	_ =	shalt  }
0x6b: {  	_ =	shalt  }
0x6c: {  	_ =	shalt  }
0x6d: {  	_ =	shalt  }
0x6e: {  	_ =	shalt  }
0x6f: {  	_ =	shalt  }
0x70: {  	_ =	shalt  }
0x71: {  	_ =	shalt  }
0x72: {  	_ =	shalt  }
0x73: {  	_ =	shalt  }
0x74: {  	_ =	shalt  }
0x75: {  	_ =	shalt  }
0x76: {  	_ =	shalt  }
0x77: {  	_ =	shalt  }
0x78: {  	_ =	shalt  }
0x79: {  	_ =	shalt  }
0x7a: {  	_ =	shalt  }
0x7b: {  	_ =	shalt  }
0x7c: {  	_ =	shalt  }
0x7d: {  	_ =	shalt  }
0x7e: {  	_ =	shalt  }
0x7f: {  	_ =	shalt  }
0x80: {  	_ =	shalt  }
0x81: {  	_ =	shalt  }
0x82: {  	_ =	shalt  }
0x83: {  	_ =	shalt  }
0x84: {  	_ =	shalt  }
0x85: {  	_ =	shalt  }
0x86: {  	_ =	shalt  }
0x87: {  	_ =	shalt  }
.Lfunc_end0:
.L_simem_size_0:
called_computation.1_lowered:
.L_overlay_start_0:
0x88: {  	s2 =	sld [smem:$0x3FD9]  }
0x89: {  	s3 =	sld [smem:$0x3FFE];
	_ =	sdelay $0x1  }
0x8a: {  	s1 =	srdreg.scid  }
0x8b: {  	s0 =	sand.u32 $0x1, s1  }
0x8c: {  	s17 =	sshll.u32 s0, $0xA;
	s2 =	sadd.s32 s3, s2  }
0x8d: {  	s2 =	sadd.s32 s2, s17  }
0x8e: {  	[smem:$0x3FC6] =	sst s2  }
0x8f: {  	_ = 	snop  }
0x90: {  	s2 =	sld [smem:$0x3FD0];
	(tm) =	ssettm $0x1  }
0x91: {  	s18 =	sld [smem:$0x3FFB];
	_ =	sdelay $0x3  }
0x92: {  	_ =	strace s18  }
0x93: {  	s3 =	sld [smem:$0x3FFC];
	_ =	sdelay $0x3  }
0x94: {  	_ =	strace s3  }
0x95: {  	s3 =	sld [smem:$0x3FFD];
	_ =	sdelay $0x3  }
0x96: {  	_ =	strace s3  }
0x97: {  	_ =	strace $0x8FFFFFFF  }
0x98: {  	s19 =	sld [smem:$0x3FDB];
	_ =	sdelay $0x1  }
0x99: {  	s4 =	simm.s32 $_scs_section_size  }
0x9a: {  	s5 =	simm.s32 $_size__tile_overlayer_lowered;
	s6 =	simm.s32 $_tile_overlayer_lowered  }
0x9b: {  	s22 =	simm.s32 $0x1BFF;
	s21 =	sshll.u32 s6, $0x1;
	s3 =	sadd.s32 s4, s19  }
0x9c: {  	s7 =	simm.s32 $0x0;
	s20 =	sshll.u32 s5, $0x1;
	s5 =	sadd.s32 s21, s3  }
0x9d: {  	[timem:s7], [sflag:s22] =	dma.local [hbm:s5], s20  }
0x9e: {  	_ =	swait.ge [sflag:s22], s20  }
0x9f: {  	s4 =	ssub.s32 $0x0, s20;
	[sflag:s22] =	ssyncset.done $0x0  }
0xa0: {  	[sflag:s22] =	ssyncadd.s32 s4;
	_ =	sdelay $0x1  }
0xa1: {  	s23 =	simm.s32 $0x1B8B  }
0xa2: {  	_ =	swait.ge [sflag:s23], $0x1  }
0xa3: {  	[sflag:s23] =	ssyncset.done $0x0  }
0xa4: {  	s25 =	simm.s32 $0x1B8E;
	s24 =	sld [smem:$0x3FFE];
	[sflag:s23] =	ssyncadd.s32 $0xFFFFFFFF  }
0xa5: {  	s26 =	simm.s32 $execute0_lowered;
	[smem:$0x3FD2] =	sst s25  }
0xa6: {  	s5 =	sshll.u32 s26, $0x1;
	_ =	strace $0x80000046;
	[dreg:$0x1] =	wrdreg $0xFFFFFFFF  }
0xa7: {  	s28 =	simm.s32 $_size_execute0_lowered;
	s3 =	sadd.s32 s3, s5;
	[dreg:$0x0] =	wrdreg $0x0  }
0xa8: {  	s5 =	sshll.u32 s28, $0x1;
	[dreg:$0x2] =	wrdreg s3  }
0xa9: {  	[dreg:$0x3] =	wrdreg s5  }
0xaa: {  	[dreg:$0x4] =	wrdreg $0xC0  }
0xab: {  	_ =	task [dreg:s7], $0x5FFFF  }
0xac: {  	[dreg:$0x1] =	wrdreg $0xFFFFFFFF  }
0xad: {  	[dreg:$0x0] =	wrdreg $0x60  }
0xae: {  	[dreg:$0x2] =	wrdreg s2  }
0xaf: {  	[dreg:$0x3] =	wrdreg s24  }
0xb0: {  	[dreg:$0x4] =	wrdreg $0x9  }
0xb1: {  	_ =	task.clear_ibuf [dreg:s7], $0x5FFFF;
	_ =	strace $0x90000046  }
0xb2: {  	s29 =	simm.s32 $0x9;
	_ =	strace $0x80000048  }
0xb3: {  	_ =	swait.ge [sflag:s29], $0x1  }
0xb4: {  	[sflag:s29] =	ssyncadd.s32 $0xFFFFFFFF  }
0xb5: {  	_ =	strace $0x90000048  }
0xb6: {  	_ =	sfence  }
0xb7: {  	s30 =	sld [smem:$0x0];
	_ =	sdelay $0x2  }
0xb8: {  	s31 =	sshll.u32 s1, $0xD;
	s1 =	sshrl.u32 s1, $0x2  }
0xb9: {  	s3 =	sand.u32 $0x4000, s31;
	s1 =	sadd.s32 s1, s30  }
0xba: {  	s0 =	sor.u32 s3, s0;
	s1 =	sshll.u32 s1, $0x11  }
0xbb: {  	s0 =	sor.u32 s1, s0  }
0xbc: {  	s0 =	sadd.s32 $0x8F2B, s0  }
0xbd: {  	[sflag:s0] =	ssyncadd.remote.s32 $0x1  }
0xbe: {  	_ =	sfence.sel $0xFFFF  }
0xbf: {  	[dreg:$0x0] =	wrdreg $0xFFFFFFFF;
	(pc) =	sbr.abs _section_cstart, $3  }
0xc0: {  	[dreg:$0x1] =	wrdreg $0xFFFFFFFF  }
0xc1: {  	_ =	task.clear_ibuf [dreg:s7], $0x2FFFF;
	_ =	strace $0x9FFFFFFF  }
0xc2: {  	(tm) =	ssettm $0x7FFFFFFF  }
0xc3: {  	_ =	shalt  }
tec
execute0_lowered:
.L_overlay_start_1:
0x0: {  	(tag) =	ssettag $0x1  }
0x1: {  	s0 =	rddreg [dreg:$0x0]  }
0x2: {  	s1 =	rddreg [dreg:$0x1];
	s2 =	simm.s32 $0x0;
	s10 =	srdreg.scid  }
0x3: {  	s8 =	stileid.u32;
	s28 =	simm.s32 $0x5;
	s29 =	simm.s32 $0x6  }
0x4: {  	s30 =	simm.s32 $0x7;
	s31 =	simm.s32 $0x8;
	s4 =	smul.u32 $0xC800, s8  }
0x5: {  	[smem:$0x7FF] =	sst s2;
	s2 =	sand.u32 $0x1, s10;
	s12 =	smul.u32 $0xC8000, s8  }
0x6: {  	s3 =	sadd.s32 $0xF42E00, s1;
	s5 =	sshll.u32 s8, $0x1;
	s8 =	smul.u32 $0x640000, s8  }
0x7: {  	s1 =	sadd.s32 $0xA00, s1;
	_ =	strace $0x80000047;
	s6 =	smul.u32 $0x6400, s2  }
0x8: {  	[dreg:$0xd] =	wrdreg s1;
	s11 =	ssub.s32 $0x2, s2;
	s9 =	smul.u32 $0x320000, s2  }
0x9: {  	s5 =	sor.u32 s2, s5;
	s2 =	smul.u32 $0x64000, s2;
	s7 =	sshrl.u32 s11, $0x1  }
0xa: {  	s5 =	smul.u32 $0x6400, s5;
	s4 =	sadd.s32 s6, s4;
	s1 =	ssub.s32 s11, s7  }
0xb: {  	s16 =	sadd.s32 s9, s8;
	s2 =	sadd.s32 s2, s12;
	s8 =	simm.s32 $0x80  }
0xc: {  	s4 =	sshll.u32 s4, $0x4;
	s5 =	sshrl.u32 s5, $0x3;
	s17 =	sadd.s32 $0x24000, s16  }
0xd: {  	[dreg:$0x7] =	wrdreg s2;
	s19 =	sadd.s32 $0x20000, s16;
	s1 =	smax.u32 s1, $0x1  }
0xe: {  	s21 =	sor.u32 $0x1C000, s16;
	s13 =	sor.u32 $0x2000, s4;
	[dreg:$0xf] =	wrdreg s1  }
0xf: {  	s23 =	sor.u32 $0x18000, s16;
	s14 =	sor.u32 $0x1800, s4;
	[dreg:$0x3] =	wrdreg s13  }
0x10: {  	s25 =	sor.u32 $0x14000, s16;
	s15 =	sor.u32 $0x1000, s4;
	[dreg:$0x4] =	wrdreg s14  }
0x11: {  	s16 =	simm.s32 $0x8400;
	s4 =	sor.u32 $0x800, s4;
	[dreg:$0x5] =	wrdreg s15  }
0x12: {  	s18 =	sshrl.u32 s17, $0x3;
	s20 =	sshrl.u32 s19, $0x3;
	[dreg:$0x6] =	wrdreg s4  }
0x13: {  	s22 =	sshrl.u32 s21, $0x3;
	s24 =	sshrl.u32 s23, $0x3;
	[dreg:$0x8] =	wrdreg s18  }
0x14: {  	s0 =	sadd.s32 s0, s5;
	s26 =	sshrl.u32 s25, $0x3;
	[dreg:$0x9] =	wrdreg s20  }
0x15: {  	s17 =	simm.s32 $0x10400;
	s19 =	simm.s32 $0x40;
	[dreg:$0xa] =	wrdreg s22  }
0x16: {  	s21 =	simm.s32 $0x2;
	s23 =	simm.s32 $0x3;
	[dreg:$0xe] =	wrdreg s0  }
0x17: {  	s25 =	simm.s32 $0x4;
	s1 =	simm.s32 $0xA;
	[dreg:$0xb] =	wrdreg s24  }
0x18: {  	s5 =	simm.s32 $0x0;
	[dreg:$0xc] =	wrdreg s26;
	s18 =	simm.s32 $0x1  }
0x19: {  	s20 =	simm.s32 $0x12400;
	s22 =	simm.s32 $0x14400;
	s24 =	simm.s32 $0x16400  }
0x1a: {  	s26 =	simm.s32 $0x18400;
	s0 =	simm.s32 $0x9;
	s14 =	simm.s32 $0x6400  }
.LBB2_1:
0x1b: {  	[dreg:$0x10] =	wrdreg s5  }
0x1c: {  	s2 =	simm.s32 $0x0;
	s4 =	rddreg [dreg:$0xe];
	s10 =	simm.s32 $0x15  }
0x1d: {  	[tilespmem:s2], [sflag:$0x15] =	stream.linear.gather [hbm4b:s4+s2], $0x6400, $0x38;
	[tilespmem:$0x1A400] =	vst v63  }
0x1e: {  	_ =	swait.ge [sflag:s10], $0x6400  }
0x1f: {  	[sflag:s10] =	ssyncset.done $0x0  }
0x20: {  	s5 =	simm.s32 $0x6400;
	[sflag:s10] =	ssyncadd.s32 $0xFFFF9C00  }
0x21: {  	[tilespmem:s5], [sflag:$0x1] =	stream.indirect.gather [hbm4b:s3+s8], $0x40, s2, s8, $0xb8;
	[tilespmem:$0x1A400] =	vst v63  }
0x22: {  	s6 =	simm.s32 $0x8400  }
0x23: {  	[tilespmem:s6], [sflag:$0x2] =	stream.indirect.gather [hbm4b:s3+s8], $0x40, s8, s8, $0xb8;
	[tilespmem:$0x1A400] =	vst v63  }
0x24: {  	s11 =	simm.s32 $0x100;
	s7 =	simm.s32 $0xA400;
	p0 =	por $0x1, $0x1  }
0x25: {  	[tilespmem:s7], [sflag:$0x3] =	stream.indirect.gather [hbm4b:s3+s8], $0x40, s11, s8, $0xb8;
	[tilespmem:$0x1A400] =	vst v63  }
0x26: {  	s12 =	simm.s32 $0x180;
	p0 =	por p0, p0;
	s10 =	simm.s32 $0xC400  }
0x27: {  	[tilespmem:s10], [sflag:$0x4] =	stream.indirect.gather [hbm4b:s3+s8], $0x40, s12, s8, $0xb8;
	[tilespmem:$0x1A400] =	vst v63  }
0x28: {  	s13 =	simm.s32 $0x200;
	s2 =	simm.s32 @!p0 $0x10;
	s11 =	simm.s32 $0xE400  }
0x29: {  	[tilespmem:s11], [sflag:$0x5] =	stream.indirect.gather [hbm4b:s3+s8], $0x40, s13, s8, $0xb8;
	[tilespmem:$0x1A400] =	vst v63  }
0x2a: {  	_ =	swait.ge @!p0 [sflag:s2], $0x2000  }
0x2b: {  	[sflag:s2] =	ssyncset.done @!p0 $0x0  }
0x2c: {  	s15 =	simm.s32 $0x280;
	[sflag:s2] =	ssyncadd.s32 @!p0 $0xFFFFE000  }
0x2d: {  	[tilespmem:s17], [sflag:$0x6] =	stream.indirect.gather [hbm4b:s3+s8], $0x40, s15, s8, $0xb8;
	[tilespmem:$0x1A400] =	vst v63  }
0x2e: {  	_ =	swait.ge [sflag:s18], $0x2000  }
0x2f: {  	s4 =	rddreg [dreg:$0x7]  }
0x30: {  	[sflag:s18] =	ssyncset.done $0x0;
	s9 =	rddreg [dreg:$0xd]  }
0x31: {  	[sflag:s18] =	ssyncadd.s32 $0xFFFFE000;
	s2 =	sadd.s32 s9, s4;
	s4 =	simm.s32 @!p0 $0x11  }
0x32: {  	[hbm4b:s2+s19] =	stream.strided.scatter [tilespmem:s5], [sflag:$0xB], $0x2000, s8, s19, $0x38;
	[tilespmem:$0x1A400] =	vst v63  }
0x33: {  	_ =	swait.ge @!p0 [sflag:s4], $0x2000  }
0x34: {  	[sflag:s4] =	ssyncset.done @!p0 $0x0  }
0x35: {  	s12 =	simm.s32 $0x300;
	[sflag:s4] =	ssyncadd.s32 @!p0 $0xFFFFE000  }
0x36: {  	[tilespmem:s20], [sflag:$0x7] =	stream.indirect.gather [hbm4b:s3+s8], $0x40, s12, s8, $0xb8;
	[tilespmem:$0x1A400] =	vst v63  }
0x37: {  	_ =	swait.ge [sflag:s21], $0x2000  }
0x38: {  	s13 =	rddreg [dreg:$0x6];
	[sflag:s21] =	ssyncset.done $0x0  }
0x39: {  	s4 =	simm.s32 @!p0 $0x12;
	[sflag:s21] =	ssyncadd.s32 $0xFFFFE000;
	s2 =	sadd.s32 s9, s13  }
0x3a: {  	[hbm4b:s2+s19] =	stream.strided.scatter [tilespmem:s6], [sflag:$0xC], $0x2000, s8, s19, $0x38;
	[tilespmem:$0x1A400] =	vst v63  }
0x3b: {  	_ =	swait.ge @!p0 [sflag:s4], $0x2000  }
0x3c: {  	[sflag:s4] =	ssyncset.done @!p0 $0x0  }
0x3d: {  	s15 =	simm.s32 $0x380;
	[sflag:s4] =	ssyncadd.s32 @!p0 $0xFFFFE000  }
0x3e: {  	[tilespmem:s22], [sflag:$0x8] =	stream.indirect.gather [hbm4b:s3+s8], $0x40, s15, s8, $0xb8;
	[tilespmem:$0x1A400] =	vst v63  }
0x3f: {  	_ =	swait.ge [sflag:s23], $0x2000  }
0x40: {  	s4 =	rddreg [dreg:$0x5];
	[sflag:s23] =	ssyncset.done $0x0  }
0x41: {  	[sflag:s23] =	ssyncadd.s32 $0xFFFFE000;
	s2 =	sadd.s32 s9, s4;
	s4 =	simm.s32 @!p0 $0x13  }
0x42: {  	[hbm4b:s2+s19] =	stream.strided.scatter [tilespmem:s7], [sflag:$0xD], $0x2000, s8, s19, $0x38;
	[tilespmem:$0x1A400] =	vst v63  }
0x43: {  	_ =	swait.ge @!p0 [sflag:s4], $0x2000  }
0x44: {  	[sflag:s4] =	ssyncset.done @!p0 $0x0  }
0x45: {  	s5 =	simm.s32 $0x400;
	[sflag:s4] =	ssyncadd.s32 @!p0 $0xFFFFE000  }
0x46: {  	[tilespmem:s24], [sflag:$0x9] =	stream.indirect.gather [hbm4b:s3+s8], $0x40, s5, s8, $0xb8;
	[tilespmem:$0x1A400] =	vst v63  }
0x47: {  	_ =	swait.ge [sflag:s25], $0x2000  }
0x48: {  	s6 =	rddreg [dreg:$0x4];
	[sflag:s25] =	ssyncset.done $0x0  }
0x49: {  	s4 =	simm.s32 @!p0 $0x14;
	[sflag:s25] =	ssyncadd.s32 $0xFFFFE000;
	s2 =	sadd.s32 s9, s6  }
0x4a: {  	[hbm4b:s2+s19] =	stream.strided.scatter [tilespmem:s10], [sflag:$0xE], $0x2000, s8, s19, $0x38;
	[tilespmem:$0x1A400] =	vst v63  }
0x4b: {  	_ =	swait.ge @!p0 [sflag:s4], $0x2000  }
0x4c: {  	[sflag:s4] =	ssyncset.done @!p0 $0x0  }
0x4d: {  	s7 =	simm.s32 $0x480;
	[sflag:s4] =	ssyncadd.s32 @!p0 $0xFFFFE000  }
0x4e: {  	[tilespmem:s26], [sflag:$0xA] =	stream.indirect.gather [hbm4b:s3+s8], $0x40, s7, s8, $0xb8;
	[tilespmem:$0x1A400] =	vst v63  }
0x4f: {  	_ =	swait.ge [sflag:s28], $0x2000  }
0x50: {  	s10 =	rddreg [dreg:$0x3];
	[sflag:s28] =	ssyncset.done $0x0  }
0x51: {  	p0 =	por $0x0, $0x0;
	[sflag:s28] =	ssyncadd.s32 $0xFFFFE000;
	s2 =	sadd.s32 s9, s10  }
0x52: {  	[hbm4b:s2+s19] =	stream.strided.scatter [tilespmem:s11], [sflag:$0xF], $0x2000, s8, s19, $0x38;
	[tilespmem:$0x1A400] =	vst v63  }
0x53: {  	s2 =	simm.s32 @!p0 $0xB  }
0x54: {  	_ =	swait.ge @!p0 [sflag:s2], $0x2000  }
0x55: {  	s4 =	simm.s32 @!p0 $0x500;
	[sflag:s2] =	ssyncset.done @!p0 $0x0  }
0x56: {  	s5 =	simm.s32 @!p0 $0x80;
	s6 =	simm.s32 @!p0 $0x6400;
	[sflag:s2] =	ssyncadd.s32 @!p0 $0xFFFFE000  }
0x57: {  	[tilespmem:s6], [sflag:$0x1] =	stream.indirect.gather @!p0 [hbm4b:s3+s5], $0x40, s4, s5, $0xb8;
	[tilespmem:$0x1A400] =	vst v63  }
0x58: {  	_ =	swait.ge [sflag:s29], $0x2000  }
0x59: {  	s11 =	rddreg [dreg:$0xc];
	[sflag:s29] =	ssyncset.done $0x0  }
0x5a: {  	s4 =	simm.s32 @!p0 $0xC;
	[sflag:s29] =	ssyncadd.s32 $0xFFFFE000;
	s2 =	sadd.s32 s9, s11  }
0x5b: {  	[hbm4b:s2+s19] =	stream.strided.scatter [tilespmem:s17], [sflag:$0x10], $0x2000, s8, s19, $0x38;
	[tilespmem:$0x1A400] =	vst v63  }
0x5c: {  	_ =	swait.ge @!p0 [sflag:s4], $0x2000  }
0x5d: {  	[sflag:s4] =	ssyncset.done @!p0 $0x0  }
0x5e: {  	s6 =	simm.s32 @!p0 $0x8400;
	s2 =	simm.s32 @!p0 $0x580;
	[sflag:s4] =	ssyncadd.s32 @!p0 $0xFFFFE000  }
0x5f: {  	[tilespmem:s6], [sflag:$0x2] =	stream.indirect.gather @!p0 [hbm4b:s3+s5], $0x40, s2, s5, $0xb8;
	[tilespmem:$0x1A400] =	vst v63  }
0x60: {  	_ =	swait.ge [sflag:s30], $0x2000  }
0x61: {  	s12 =	rddreg [dreg:$0xb];
	[sflag:s30] =	ssyncset.done $0x0  }
0x62: {  	s4 =	simm.s32 @!p0 $0xD;
	[sflag:s30] =	ssyncadd.s32 $0xFFFFE000;
	s2 =	sadd.s32 s9, s12  }
0x63: {  	[hbm4b:s2+s19] =	stream.strided.scatter [tilespmem:s20], [sflag:$0x11], $0x2000, s8, s19, $0x38;
	[tilespmem:$0x1A400] =	vst v63  }
0x64: {  	_ =	swait.ge @!p0 [sflag:s4], $0x2000  }
0x65: {  	[sflag:s4] =	ssyncset.done @!p0 $0x0  }
0x66: {  	s6 =	simm.s32 @!p0 $0xA400;
	s2 =	simm.s32 @!p0 $0x600;
	[sflag:s4] =	ssyncadd.s32 @!p0 $0xFFFFE000  }
0x67: {  	[tilespmem:s6], [sflag:$0x3] =	stream.indirect.gather @!p0 [hbm4b:s3+s5], $0x40, s2, s5, $0xb8;
	[tilespmem:$0x1A400] =	vst v63  }
0x68: {  	_ =	swait.ge [sflag:s31], $0x2000  }
0x69: {  	s13 =	rddreg [dreg:$0xa];
	[sflag:s31] =	ssyncset.done $0x0  }
0x6a: {  	s4 =	simm.s32 @!p0 $0xE;
	[sflag:s31] =	ssyncadd.s32 $0xFFFFE000;
	s2 =	sadd.s32 s9, s13  }
0x6b: {  	[hbm4b:s2+s19] =	stream.strided.scatter [tilespmem:s22], [sflag:$0x12], $0x2000, s8, s19, $0x38;
	[tilespmem:$0x1A400] =	vst v63  }
0x6c: {  	_ =	swait.ge @!p0 [sflag:s4], $0x2000  }
0x6d: {  	[sflag:s4] =	ssyncset.done @!p0 $0x0  }
0x6e: {  	s6 =	simm.s32 @!p0 $0xC400;
	s2 =	simm.s32 @!p0 $0x680;
	[sflag:s4] =	ssyncadd.s32 @!p0 $0xFFFFE000  }
0x6f: {  	[tilespmem:s6], [sflag:$0x4] =	stream.indirect.gather @!p0 [hbm4b:s3+s5], $0x40, s2, s5, $0xb8;
	[tilespmem:$0x1A400] =	vst v63  }
0x70: {  	_ =	swait.ge [sflag:s0], $0x2000  }
0x71: {  	s15 =	rddreg [dreg:$0x9];
	[sflag:s0] =	ssyncset.done $0x0  }
0x72: {  	s4 =	simm.s32 @!p0 $0xF;
	[sflag:s0] =	ssyncadd.s32 $0xFFFFE000;
	s2 =	sadd.s32 s9, s15  }
0x73: {  	[hbm4b:s2+s19] =	stream.strided.scatter [tilespmem:s24], [sflag:$0x13], $0x2000, s8, s19, $0x38;
	[tilespmem:$0x1A400] =	vst v63  }
0x74: {  	_ =	swait.ge @!p0 [sflag:s4], $0x2000  }
0x75: {  	p6 =	por $0x0, $0x0;
	s7 =	simm.s32 @!p0 $0xE400;
	[sflag:s4] =	ssyncset.done @!p0 $0x0  }
0x76: {  	s6 =	simm.s32 $0x1400;
	s2 =	simm.s32 @!p0 $0x700;
	[sflag:s4] =	ssyncadd.s32 @!p0 $0xFFFFE000  }
0x77: {  	[tilespmem:s7], [sflag:$0x5] =	stream.indirect.gather @!p0 [hbm4b:s3+s5], $0x40, s2, s5, $0xb8;
	[tilespmem:$0x1A400] =	vst v63  }
0x78: {  	s4 =	smov.u32 s9;
	s7 =	simm.s32 $0x2800;
	_ =	swait.ge [sflag:s1], $0x2000  }
0x79: {  	p0 =	por p6, p6;
	s5 =	sadd.s32 $0x5000, s9;
	[sflag:s1] =	ssyncset.done $0x0  }
0x7a: {  	s2 =	simm.s32 @!p0 $0x10;
	s13 =	rddreg [dreg:$0x8];
	[sflag:s1] =	ssyncadd.s32 $0xFFFFE000  }
.LBB2_2:
0x7b: {  	s15 =	sadd.s32 s4, s13  }
0x7c: {  	[hbm4b:s15+s19] =	stream.strided.scatter [tilespmem:s26], [sflag:$0x14], $0x2000, s8, s19, $0x38;
	[tilespmem:$0x1A400] =	vst v63  }
0x7d: {  	_ =	swait.ge @!p0 [sflag:s2], $0x2000  }
0x7e: {  	s15 =	sshra.s32 s6, $0x2;
	[sflag:s2] =	ssyncset.done @!p0 $0x0  }
0x7f: {  	s12 =	sadd.s32 $0x280, s15;
	[sflag:s2] =	ssyncadd.s32 @!p0 $0xFFFFE000  }
0x80: {  	[tilespmem:s17], [sflag:$0x6] =	stream.indirect.gather [hbm4b:s3+s8], $0x40, s12, s8, $0xb8;
	[tilespmem:$0x1A400] =	vst v63  }
0x81: {  	_ =	swait.ge [sflag:s18], $0x2000  }
0x82: {  	s9 =	rddreg [dreg:$0x7];
	[sflag:s18] =	ssyncset.done $0x0  }
0x83: {  	s11 =	simm.s32 @!p0 $0x11;
	[sflag:s18] =	ssyncadd.s32 $0xFFFFE000;
	s2 =	sadd.s32 s5, s9  }
0x84: {  	[hbm4b:s2+s19] =	stream.strided.scatter [tilespmem:s14], [sflag:$0xB], $0x2000, s8, s19, $0x38;
	[tilespmem:$0x1A400] =	vst v63  }
0x85: {  	_ =	swait.ge @!p0 [sflag:s11], $0x2000  }
0x86: {  	[sflag:s11] =	ssyncset.done @!p0 $0x0  }
0x87: {  	s10 =	sadd.s32 $0x300, s15;
	[sflag:s11] =	ssyncadd.s32 @!p0 $0xFFFFE000  }
0x88: {  	[tilespmem:s20], [sflag:$0x7] =	stream.indirect.gather [hbm4b:s3+s8], $0x40, s10, s8, $0xb8;
	[tilespmem:$0x1A400] =	vst v63  }
0x89: {  	_ =	swait.ge [sflag:s21], $0x2000  }
0x8a: {  	s11 =	rddreg [dreg:$0x6];
	[sflag:s21] =	ssyncset.done $0x0  }
0x8b: {  	[sflag:s21] =	ssyncadd.s32 $0xFFFFE000;
	s2 =	sadd.s32 s5, s11;
	s11 =	simm.s32 @!p0 $0x12  }
0x8c: {  	[hbm4b:s2+s19] =	stream.strided.scatter [tilespmem:s16], [sflag:$0xC], $0x2000, s8, s19, $0x38;
	[tilespmem:$0x1A400] =	vst v63  }
0x8d: {  	_ =	swait.ge @!p0 [sflag:s11], $0x2000  }
0x8e: {  	[sflag:s11] =	ssyncset.done @!p0 $0x0  }
0x8f: {  	s12 =	sadd.s32 $0x380, s15;
	[sflag:s11] =	ssyncadd.s32 @!p0 $0xFFFFE000  }
0x90: {  	[tilespmem:s22], [sflag:$0x8] =	stream.indirect.gather [hbm4b:s3+s8], $0x40, s12, s8, $0xb8;
	[tilespmem:$0x1A400] =	vst v63  }
0x91: {  	_ =	swait.ge [sflag:s23], $0x2000  }
0x92: {  	s11 =	simm.s32 @!p0 $0x13;
	s9 =	rddreg [dreg:$0x5];
	[sflag:s23] =	ssyncset.done $0x0  }
0x93: {  	[sflag:s23] =	ssyncadd.s32 $0xFFFFE000;
	s2 =	sadd.s32 s5, s9;
	s9 =	simm.s32 $0xA400  }
0x94: {  	[hbm4b:s2+s19] =	stream.strided.scatter [tilespmem:s9], [sflag:$0xD], $0x2000, s8, s19, $0x38;
	[tilespmem:$0x1A400] =	vst v63  }
0x95: {  	_ =	swait.ge @!p0 [sflag:s11], $0x2000  }
0x96: {  	[sflag:s11] =	ssyncset.done @!p0 $0x0  }
0x97: {  	s10 =	sadd.s32 $0x400, s15;
	[sflag:s11] =	ssyncadd.s32 @!p0 $0xFFFFE000  }
0x98: {  	[tilespmem:s24], [sflag:$0x9] =	stream.indirect.gather [hbm4b:s3+s8], $0x40, s10, s8, $0xb8;
	[tilespmem:$0x1A400] =	vst v63  }
0x99: {  	_ =	swait.ge [sflag:s25], $0x2000  }
0x9a: {  	s12 =	simm.s32 $0xC400;
	s11 =	rddreg [dreg:$0x4];
	[sflag:s25] =	ssyncset.done $0x0  }
0x9b: {  	[sflag:s25] =	ssyncadd.s32 $0xFFFFE000;
	s2 =	sadd.s32 s5, s11;
	s11 =	simm.s32 @!p0 $0x14  }
0x9c: {  	[hbm4b:s2+s19] =	stream.strided.scatter [tilespmem:s12], [sflag:$0xE], $0x2000, s8, s19, $0x38;
	[tilespmem:$0x1A400] =	vst v63  }
0x9d: {  	_ =	swait.ge @!p0 [sflag:s11], $0x2000  }
0x9e: {  	[sflag:s11] =	ssyncset.done @!p0 $0x0  }
0x9f: {  	s15 =	sadd.s32 $0x480, s15;
	[sflag:s11] =	ssyncadd.s32 @!p0 $0xFFFFE000  }
0xa0: {  	[tilespmem:s26], [sflag:$0xA] =	stream.indirect.gather [hbm4b:s3+s8], $0x40, s15, s8, $0xb8;
	[tilespmem:$0x1A400] =	vst v63  }
0xa1: {  	p2 =	seq.s32 s7, $0x0;
	s10 =	simm.s32 $0xE400;
	_ =	swait.ge [sflag:s28], $0x2000  }
0xa2: {  	p0 =	por p2, p2;
	s9 =	rddreg [dreg:$0x3];
	[sflag:s28] =	ssyncset.done $0x0  }
0xa3: {  	p2 =	seq.s32 s6, $0x17C00;
	[sflag:s28] =	ssyncadd.s32 $0xFFFFE000;
	s2 =	sadd.s32 s5, s9  }
0xa4: {  	[hbm4b:s2+s19] =	stream.strided.scatter [tilespmem:s10], [sflag:$0xF], $0x2000, s8, s19, $0x38;
	[tilespmem:$0x1A400] =	vst v63  }
0xa5: {  	s13 =	smov.u32 s7;
	s2 =	simm.s32 @!p2 $0xB  }
0xa6: {  	s11 =	sshra.s32 @!p2 s6, $0x2;
	s6 =	smov.u32 s13;
	_ =	swait.ge @!p2 [sflag:s2], $0x2000  }
0xa7: {  	s13 =	simm.s32 @!p2 $0x80;
	s15 =	sadd.s32 @!p2 $0x500, s11;
	[sflag:s2] =	ssyncset.done @!p2 $0x0  }
0xa8: {  	s12 =	sadd.s32 @!p2 $0x600, s11;
	s10 =	simm.s32 @!p2 $0x6400;
	[sflag:s2] =	ssyncadd.s32 @!p2 $0xFFFFE000  }
0xa9: {  	[tilespmem:s10], [sflag:$0x1] =	stream.indirect.gather @!p2 [hbm4b:s3+s13], $0x40, s15, s13, $0xb8;
	[tilespmem:$0x1A400] =	vst v63  }
0xaa: {  	s9 =	sadd.s32 @!p2 $0x580, s11;
	s2 =	sadd.s32 @!p2 $0x680, s11;
	_ =	swait.ge [sflag:s29], $0x2000  }
0xab: {  	s15 =	sadd.s32 @!p2 $0x700, s11;
	s11 =	rddreg [dreg:$0xc];
	[sflag:s29] =	ssyncset.done $0x0  }
0xac: {  	[sflag:s29] =	ssyncadd.s32 $0xFFFFE000;
	s10 =	sadd.s32 s5, s11;
	s11 =	simm.s32 @!p2 $0xC  }
0xad: {  	[hbm4b:s10+s19] =	stream.strided.scatter [tilespmem:s17], [sflag:$0x10], $0x2000, s8, s19, $0x38;
	[tilespmem:$0x1A400] =	vst v63  }
0xae: {  	_ =	swait.ge @!p2 [sflag:s11], $0x2000  }
0xaf: {  	[sflag:s11] =	ssyncset.done @!p2 $0x0  }
0xb0: {  	s10 =	simm.s32 @!p2 $0x8400;
	[sflag:s11] =	ssyncadd.s32 @!p2 $0xFFFFE000  }
0xb1: {  	[tilespmem:s10], [sflag:$0x2] =	stream.indirect.gather @!p2 [hbm4b:s3+s13], $0x40, s9, s13, $0xb8;
	[tilespmem:$0x1A400] =	vst v63  }
0xb2: {  	_ =	swait.ge [sflag:s30], $0x2000  }
0xb3: {  	s10 =	rddreg [dreg:$0xb];
	[sflag:s30] =	ssyncset.done $0x0  }
0xb4: {  	[sflag:s30] =	ssyncadd.s32 $0xFFFFE000;
	s9 =	sadd.s32 s5, s10;
	s10 =	simm.s32 @!p2 $0xD  }
0xb5: {  	[hbm4b:s9+s19] =	stream.strided.scatter [tilespmem:s20], [sflag:$0x11], $0x2000, s8, s19, $0x38;
	[tilespmem:$0x1A400] =	vst v63  }
0xb6: {  	_ =	swait.ge @!p2 [sflag:s10], $0x2000  }
0xb7: {  	[sflag:s10] =	ssyncset.done @!p2 $0x0  }
0xb8: {  	s9 =	simm.s32 @!p2 $0xA400;
	[sflag:s10] =	ssyncadd.s32 @!p2 $0xFFFFE000  }
0xb9: {  	[tilespmem:s9], [sflag:$0x3] =	stream.indirect.gather @!p2 [hbm4b:s3+s13], $0x40, s12, s13, $0xb8;
	[tilespmem:$0x1A400] =	vst v63  }
0xba: {  	_ =	swait.ge [sflag:s31], $0x2000  }
0xbb: {  	s11 =	rddreg [dreg:$0xa];
	[sflag:s31] =	ssyncset.done $0x0  }
0xbc: {  	s10 =	simm.s32 @!p2 $0xE;
	[sflag:s31] =	ssyncadd.s32 $0xFFFFE000;
	s9 =	sadd.s32 s5, s11  }
0xbd: {  	[hbm4b:s9+s19] =	stream.strided.scatter [tilespmem:s22], [sflag:$0x12], $0x2000, s8, s19, $0x38;
	[tilespmem:$0x1A400] =	vst v63  }
0xbe: {  	_ =	swait.ge @!p2 [sflag:s10], $0x2000  }
0xbf: {  	[sflag:s10] =	ssyncset.done @!p2 $0x0  }
0xc0: {  	s9 =	simm.s32 @!p2 $0xC400;
	[sflag:s10] =	ssyncadd.s32 @!p2 $0xFFFFE000  }
0xc1: {  	[tilespmem:s9], [sflag:$0x4] =	stream.indirect.gather @!p2 [hbm4b:s3+s13], $0x40, s2, s13, $0xb8;
	[tilespmem:$0x1A400] =	vst v63  }
0xc2: {  	_ =	swait.ge [sflag:s0], $0x2000  }
0xc3: {  	s12 =	rddreg [dreg:$0x9];
	[sflag:s0] =	ssyncset.done $0x0  }
0xc4: {  	s9 =	simm.s32 @!p2 $0xF;
	[sflag:s0] =	ssyncadd.s32 $0xFFFFE000;
	s2 =	sadd.s32 s5, s12  }
0xc5: {  	[hbm4b:s2+s19] =	stream.strided.scatter [tilespmem:s24], [sflag:$0x13], $0x2000, s8, s19, $0x38;
	[tilespmem:$0x1A400] =	vst v63  }
0xc6: {  	s7 =	sadd.s32 $0x1400, s7;
	_ =	swait.ge @!p2 [sflag:s9], $0x2000  }
0xc7: {  	p1 =	sne.s32 s7, $0x19000;
	[sflag:s9] =	ssyncset.done @!p2 $0x0  }
.Ltmp0:
0xc8: {  	s2 =	simm.s32 @!p2 $0xE400;
	[sflag:s9] =	ssyncadd.s32 @!p2 $0xFFFFE000;
	(pc) =	sbr.rel @p1 .LBB2_2-.Ltmp0, $4  }
0xc9: {  	[tilespmem:s2], [sflag:$0x5] =	stream.indirect.gather @!p2 [hbm4b:s3+s13], $0x40, s15, s13, $0xb8;
	[tilespmem:$0x1A400] =	vst v63  }
0xca: {  	_ =	swait.ge [sflag:s1], $0x2000  }
0xcb: {  	s4 =	smov.u32 s5;
	s5 =	sadd.s32 $0x5000, s5;
	[sflag:s1] =	ssyncset.done $0x0  }
0xcc: {  	s2 =	simm.s32 @!p0 $0x10;
	s13 =	rddreg [dreg:$0x8];
	[sflag:s1] =	ssyncadd.s32 $0xFFFFE000  }
0xcd: {  	s4 =	sadd.s32 s4, s13  }
0xce: {  	[hbm4b:s4+s19] =	stream.strided.scatter [tilespmem:s26], [sflag:$0x14], $0x2000, s8, s19, $0x38;
	[tilespmem:$0x1A400] =	vst v63  }
0xcf: {  	_ =	swait.ge @!p0 [sflag:s2], $0x2000  }
0xd0: {  	s4 =	sshra.s32 s6, $0x2;
	[sflag:s2] =	ssyncset.done @!p0 $0x0  }
0xd1: {  	s10 =	sadd.s32 $0x280, s4;
	[sflag:s2] =	ssyncadd.s32 @!p0 $0xFFFFE000  }
0xd2: {  	[tilespmem:s17], [sflag:$0x6] =	stream.indirect.gather [hbm4b:s3+s8], $0x40, s10, s8, $0xb8;
	[tilespmem:$0x1A400] =	vst v63  }
0xd3: {  	_ =	swait.ge [sflag:s18], $0x2000  }
0xd4: {  	s11 =	rddreg [dreg:$0x7];
	[sflag:s18] =	ssyncset.done $0x0  }
0xd5: {  	s7 =	simm.s32 @!p0 $0x11;
	[sflag:s18] =	ssyncadd.s32 $0xFFFFE000;
	s2 =	sadd.s32 s5, s11  }
0xd6: {  	[hbm4b:s2+s19] =	stream.strided.scatter [tilespmem:s14], [sflag:$0xB], $0x2000, s8, s19, $0x38;
	[tilespmem:$0x1A400] =	vst v63  }
0xd7: {  	_ =	swait.ge @!p0 [sflag:s7], $0x2000  }
0xd8: {  	[sflag:s7] =	ssyncset.done @!p0 $0x0  }
0xd9: {  	s12 =	sadd.s32 $0x300, s4;
	[sflag:s7] =	ssyncadd.s32 @!p0 $0xFFFFE000  }
0xda: {  	[tilespmem:s20], [sflag:$0x7] =	stream.indirect.gather [hbm4b:s3+s8], $0x40, s12, s8, $0xb8;
	[tilespmem:$0x1A400] =	vst v63  }
0xdb: {  	_ =	swait.ge [sflag:s21], $0x2000  }
0xdc: {  	s13 =	rddreg [dreg:$0x6];
	[sflag:s21] =	ssyncset.done $0x0  }
0xdd: {  	s7 =	simm.s32 @!p0 $0x12;
	[sflag:s21] =	ssyncadd.s32 $0xFFFFE000;
	s2 =	sadd.s32 s5, s13  }
0xde: {  	[hbm4b:s2+s19] =	stream.strided.scatter [tilespmem:s16], [sflag:$0xC], $0x2000, s8, s19, $0x38;
	[tilespmem:$0x1A400] =	vst v63  }
0xdf: {  	_ =	swait.ge @!p0 [sflag:s7], $0x2000  }
0xe0: {  	[sflag:s7] =	ssyncset.done @!p0 $0x0  }
0xe1: {  	s15 =	sadd.s32 $0x380, s4;
	[sflag:s7] =	ssyncadd.s32 @!p0 $0xFFFFE000  }
0xe2: {  	[tilespmem:s22], [sflag:$0x8] =	stream.indirect.gather [hbm4b:s3+s8], $0x40, s15, s8, $0xb8;
	[tilespmem:$0x1A400] =	vst v63  }
0xe3: {  	_ =	swait.ge [sflag:s23], $0x2000  }
0xe4: {  	s9 =	simm.s32 $0xA400;
	s7 =	rddreg [dreg:$0x5];
	[sflag:s23] =	ssyncset.done $0x0  }
0xe5: {  	[sflag:s23] =	ssyncadd.s32 $0xFFFFE000;
	s2 =	sadd.s32 s5, s7;
	s7 =	simm.s32 @!p0 $0x13  }
0xe6: {  	[hbm4b:s2+s19] =	stream.strided.scatter [tilespmem:s9], [sflag:$0xD], $0x2000, s8, s19, $0x38;
	[tilespmem:$0x1A400] =	vst v63  }
0xe7: {  	_ =	swait.ge @!p0 [sflag:s7], $0x2000  }
0xe8: {  	[sflag:s7] =	ssyncset.done @!p0 $0x0  }
0xe9: {  	s9 =	sadd.s32 $0x400, s4;
	[sflag:s7] =	ssyncadd.s32 @!p0 $0xFFFFE000  }
0xea: {  	[tilespmem:s24], [sflag:$0x9] =	stream.indirect.gather [hbm4b:s3+s8], $0x40, s9, s8, $0xb8;
	[tilespmem:$0x1A400] =	vst v63  }
0xeb: {  	_ =	swait.ge [sflag:s25], $0x2000  }
0xec: {  	s11 =	simm.s32 $0xC400;
	s10 =	rddreg [dreg:$0x4];
	[sflag:s25] =	ssyncset.done $0x0  }
0xed: {  	s7 =	simm.s32 @!p0 $0x14;
	[sflag:s25] =	ssyncadd.s32 $0xFFFFE000;
	s2 =	sadd.s32 s5, s10  }
0xee: {  	[hbm4b:s2+s19] =	stream.strided.scatter [tilespmem:s11], [sflag:$0xE], $0x2000, s8, s19, $0x38;
	[tilespmem:$0x1A400] =	vst v63  }
0xef: {  	_ =	swait.ge @!p0 [sflag:s7], $0x2000  }
0xf0: {  	[sflag:s7] =	ssyncset.done @!p0 $0x0  }
0xf1: {  	s12 =	sadd.s32 $0x480, s4;
	[sflag:s7] =	ssyncadd.s32 @!p0 $0xFFFFE000  }
0xf2: {  	[tilespmem:s26], [sflag:$0xA] =	stream.indirect.gather [hbm4b:s3+s8], $0x40, s12, s8, $0xb8;
	[tilespmem:$0x1A400] =	vst v63  }
0xf3: {  	_ =	swait.ge [sflag:s28], $0x2000  }
0xf4: {  	s15 =	simm.s32 $0xE400;
	s13 =	rddreg [dreg:$0x3];
	[sflag:s28] =	ssyncset.done $0x0  }
0xf5: {  	p0 =	seq.s32 s6, $0x17C00;
	[sflag:s28] =	ssyncadd.s32 $0xFFFFE000;
	s2 =	sadd.s32 s5, s13  }
0xf6: {  	[hbm4b:s2+s19] =	stream.strided.scatter [tilespmem:s15], [sflag:$0xF], $0x2000, s8, s19, $0x38;
	[tilespmem:$0x1A400] =	vst v63  }
0xf7: {  	s2 =	simm.s32 @!p0 $0xB  }
0xf8: {  	_ =	swait.ge @!p0 [sflag:s2], $0x2000  }
0xf9: {  	s4 =	sshra.s32 @!p0 s6, $0x2;
	s7 =	simm.s32 @!p0 $0x80;
	[sflag:s2] =	ssyncset.done @!p0 $0x0  }
0xfa: {  	s6 =	sadd.s32 @!p0 $0x500, s4;
	[sflag:s2] =	ssyncadd.s32 @!p0 $0xFFFFE000;
	s2 =	simm.s32 @!p0 $0x6400  }
0xfb: {  	[tilespmem:s2], [sflag:$0x1] =	stream.indirect.gather @!p0 [hbm4b:s3+s7], $0x40, s6, s7, $0xb8;
	[tilespmem:$0x1A400] =	vst v63  }
0xfc: {  	_ =	swait.ge [sflag:s29], $0x2000  }
0xfd: {  	s6 =	rddreg [dreg:$0xc];
	[sflag:s29] =	ssyncset.done $0x0  }
0xfe: {  	[sflag:s29] =	ssyncadd.s32 $0xFFFFE000;
	s2 =	sadd.s32 s5, s6;
	s6 =	simm.s32 @!p0 $0xC  }
0xff: {  	[hbm4b:s2+s19] =	stream.strided.scatter [tilespmem:s17], [sflag:$0x10], $0x2000, s8, s19, $0x38;
	[tilespmem:$0x1A400] =	vst v63  }
0x100: {  	_ =	swait.ge @!p0 [sflag:s6], $0x2000  }
0x101: {  	[sflag:s6] =	ssyncset.done @!p0 $0x0  }
0x102: {  	s2 =	sadd.s32 @!p0 $0x580, s4;
	[sflag:s6] =	ssyncadd.s32 @!p0 $0xFFFFE000;
	s6 =	simm.s32 @!p0 $0x8400  }
0x103: {  	[tilespmem:s6], [sflag:$0x2] =	stream.indirect.gather @!p0 [hbm4b:s3+s7], $0x40, s2, s7, $0xb8;
	[tilespmem:$0x1A400] =	vst v63  }
0x104: {  	_ =	swait.ge [sflag:s30], $0x2000  }
0x105: {  	s9 =	rddreg [dreg:$0xb];
	[sflag:s30] =	ssyncset.done $0x0  }
0x106: {  	s6 =	simm.s32 @!p0 $0xD;
	[sflag:s30] =	ssyncadd.s32 $0xFFFFE000;
	s2 =	sadd.s32 s5, s9  }
0x107: {  	[hbm4b:s2+s19] =	stream.strided.scatter [tilespmem:s20], [sflag:$0x11], $0x2000, s8, s19, $0x38;
	[tilespmem:$0x1A400] =	vst v63  }
0x108: {  	_ =	swait.ge @!p0 [sflag:s6], $0x2000  }
0x109: {  	[sflag:s6] =	ssyncset.done @!p0 $0x0  }
0x10a: {  	s2 =	sadd.s32 @!p0 $0x600, s4;
	[sflag:s6] =	ssyncadd.s32 @!p0 $0xFFFFE000;
	s6 =	simm.s32 @!p0 $0xA400  }
0x10b: {  	[tilespmem:s6], [sflag:$0x3] =	stream.indirect.gather @!p0 [hbm4b:s3+s7], $0x40, s2, s7, $0xb8;
	[tilespmem:$0x1A400] =	vst v63  }
0x10c: {  	_ =	swait.ge [sflag:s31], $0x2000  }
0x10d: {  	s10 =	rddreg [dreg:$0xa];
	[sflag:s31] =	ssyncset.done $0x0  }
0x10e: {  	s6 =	simm.s32 @!p0 $0xE;
	[sflag:s31] =	ssyncadd.s32 $0xFFFFE000;
	s2 =	sadd.s32 s5, s10  }
0x10f: {  	[hbm4b:s2+s19] =	stream.strided.scatter [tilespmem:s22], [sflag:$0x12], $0x2000, s8, s19, $0x38;
	[tilespmem:$0x1A400] =	vst v63  }
0x110: {  	_ =	swait.ge @!p0 [sflag:s6], $0x2000  }
0x111: {  	[sflag:s6] =	ssyncset.done @!p0 $0x0  }
0x112: {  	s2 =	sadd.s32 @!p0 $0x680, s4;
	[sflag:s6] =	ssyncadd.s32 @!p0 $0xFFFFE000;
	s6 =	simm.s32 @!p0 $0xC400  }
0x113: {  	[tilespmem:s6], [sflag:$0x4] =	stream.indirect.gather @!p0 [hbm4b:s3+s7], $0x40, s2, s7, $0xb8;
	[tilespmem:$0x1A400] =	vst v63  }
0x114: {  	_ =	swait.ge [sflag:s0], $0x2000  }
0x115: {  	s11 =	rddreg [dreg:$0x9];
	[sflag:s0] =	ssyncset.done $0x0  }
0x116: {  	[sflag:s0] =	ssyncadd.s32 $0xFFFFE000;
	s2 =	sadd.s32 s5, s11  }
0x117: {  	[hbm4b:s2+s19] =	stream.strided.scatter [tilespmem:s24], [sflag:$0x13], $0x2000, s8, s19, $0x38;
	[tilespmem:$0x1A400] =	vst v63  }
0x118: {  	s2 =	simm.s32 @!p0 $0xF  }
0x119: {  	_ =	swait.ge @!p0 [sflag:s2], $0x2000  }
0x11a: {  	[sflag:s2] =	ssyncset.done @!p0 $0x0  }
0x11b: {  	s4 =	sadd.s32 @!p0 $0x700, s4;
	[sflag:s2] =	ssyncadd.s32 @!p0 $0xFFFFE000;
	s2 =	simm.s32 @!p0 $0xE400  }
0x11c: {  	[tilespmem:s2], [sflag:$0x5] =	stream.indirect.gather @!p0 [hbm4b:s3+s7], $0x40, s4, s7, $0xb8;
	[tilespmem:$0x1A400] =	vst v63  }
0x11d: {  	_ =	swait.ge [sflag:s1], $0x2000  }
0x11e: {  	s12 =	rddreg [dreg:$0x8];
	[sflag:s1] =	ssyncset.done $0x0  }
0x11f: {  	s13 =	simm.s32 $0xB;
	s2 =	sadd.s32 s5, s12;
	[sflag:s1] =	ssyncadd.s32 $0xFFFFE000  }
0x120: {  	[hbm4b:s2+s19] =	stream.strided.scatter [tilespmem:s26], [sflag:$0x14], $0x2000, s8, s19, $0x38;
	[tilespmem:$0x1A400] =	vst v63  }
0x121: {  	_ =	swait.ge [sflag:s13], $0x2000  }
0x122: {  	[sflag:s13] =	ssyncset.done $0x0  }
0x123: {  	s15 =	simm.s32 $0xC;
	[sflag:s13] =	ssyncadd.s32 $0xFFFFE000  }
0x124: {  	_ =	swait.ge [sflag:s15], $0x2000  }
0x125: {  	[sflag:s15] =	ssyncset.done $0x0  }
0x126: {  	s4 =	simm.s32 $0xD;
	[sflag:s15] =	ssyncadd.s32 $0xFFFFE000  }
0x127: {  	_ =	swait.ge [sflag:s4], $0x2000  }
0x128: {  	[sflag:s4] =	ssyncset.done $0x0  }
0x129: {  	s5 =	simm.s32 $0xE;
	[sflag:s4] =	ssyncadd.s32 $0xFFFFE000  }
0x12a: {  	_ =	swait.ge [sflag:s5], $0x2000  }
0x12b: {  	[sflag:s5] =	ssyncset.done $0x0  }
0x12c: {  	s6 =	simm.s32 $0xF;
	[sflag:s5] =	ssyncadd.s32 $0xFFFFE000  }
0x12d: {  	_ =	swait.ge [sflag:s6], $0x2000  }
0x12e: {  	[sflag:s6] =	ssyncset.done $0x0  }
0x12f: {  	s7 =	simm.s32 $0x10;
	[sflag:s6] =	ssyncadd.s32 $0xFFFFE000  }
0x130: {  	_ =	swait.ge [sflag:s7], $0x2000  }
0x131: {  	[sflag:s7] =	ssyncset.done $0x0  }
0x132: {  	s9 =	simm.s32 $0x11;
	[sflag:s7] =	ssyncadd.s32 $0xFFFFE000  }
0x133: {  	_ =	swait.ge [sflag:s9], $0x2000  }
0x134: {  	[sflag:s9] =	ssyncset.done $0x0  }
0x135: {  	s10 =	simm.s32 $0x12;
	[sflag:s9] =	ssyncadd.s32 $0xFFFFE000  }
0x136: {  	_ =	swait.ge [sflag:s10], $0x2000  }
0x137: {  	[sflag:s10] =	ssyncset.done $0x0  }
0x138: {  	s11 =	simm.s32 $0x13;
	[sflag:s10] =	ssyncadd.s32 $0xFFFFE000  }
0x139: {  	_ =	swait.ge [sflag:s11], $0x2000  }
0x13a: {  	[sflag:s11] =	ssyncset.done $0x0  }
0x13b: {  	s12 =	simm.s32 $0x14;
	[sflag:s11] =	ssyncadd.s32 $0xFFFFE000  }
0x13c: {  	_ =	swait.ge [sflag:s12], $0x2000  }
0x13d: {  	s13 =	rddreg [dreg:$0x10]  }
0x13e: {  	s15 =	rddreg [dreg:$0xf];
	s5 =	sadd.s32 $0x1, s13  }
0x13f: {  	p0 =	sne.s32 s5, s15  }
.Ltmp1:
0x140: {  	_ = 	snop;
	(pc) =	sbr.rel @p0 .LBB2_1-.Ltmp1, $3  }
0x141: {  	_ =	sdelay $0x1  }
0x142: {  	[sflag:s12] =	ssyncset.done $0x0  }
0x143: {  	[sflag:s12] =	ssyncadd.s32 $0xFFFFE000  }
0x144: {  	_ =	sfence.sel $0x180000  }
0x145: {  	[bflag:$0x0] =	sbarrier.arrive $0xFFFF  }
0x146: {  	_ =	strace $0x90000047  }
0x147: {  	s0 =	stileid.u32;
	[bflag:$0x2] =	sbarrier.arrive $0xFFFF  }
0x148: {  	p0 =	sne.s32 s0, $0x0;
	s0 =	rddreg [dreg:$0x2]  }
0x149: {  	s0 =	sadd.s32 @!p0 $0x100000, s0  }
0x14a: {  	[sflag:s0] =	ssyncadd.tile.s32 @!p0 $0x1;
	_ =	shalt  }
.Lfunc_end2:
_tile_overlayer_lowered:
.L_overlay_start_2:
0x14b: {  	(tag) =	ssettag $0x2  }
0x14c: {  	s0 =	rddreg [dreg:$0x0];
	s2 =	stileid.u32  }
0x14d: {  	s1 =	rddreg [dreg:$0x1];
	p0 =	sne.s32 s2, $0x0  }
0x14e: {  	s3 =	rddreg [dreg:$0x2];
	[bflag:$0x3] =	sbarrier.arrive $0xFFFF;
	s2 =	simm.s32 @!p0 $0x1C15  }
0x14f: {  	[timem:s3], [sflag:s2] =	dma.local @!p0 [hbm:s0], s1  }
0x150: {  	s0 =	simm.s32 @!p0 $0x15  }
0x151: {  	_ =	swait.ge @!p0 [sflag:s0], s1  }
0x152: {  	s1 =	ssub.s32 @!p0 $0x0, s1;
	[sflag:s0] =	ssyncset.done @!p0 $0x0  }
0x153: {  	[sflag:s0] =	ssyncadd.s32 @!p0 s1  }
0x154: {  	[bflag:$0x3] =	sbarrier.arrive $0xFFFF  }
0x155: {  	_ =	shalt  }

// kernel: sparse-core-data-format-call.cloned.1.call-start
scs
called_computation_lowered:
.L_overlay_start_0:
0x0: {  	s2 =	sld [smem:$0x3FD9]  }
0x1: {  	s3 =	sld [smem:$0x3FFE];
	_ =	sdelay $0x1  }
0x2: {  	s1 =	srdreg.scid  }
0x3: {  	s0 =	sand.u32 $0x1, s1  }
0x4: {  	s18 =	sshll.u32 s0, $0xA;
	s2 =	sadd.s32 s3, s2  }
0x5: {  	s2 =	sadd.s32 s2, s18  }
0x6: {  	[smem:$0x3FC6] =	sst s2  }
0x7: {  	_ = 	snop  }
0x8: {  	s2 =	sld [smem:$0x3FD0];
	(tm) =	ssettm $0x1  }
0x9: {  	s19 =	sld [smem:$0x3FFB];
	_ =	sdelay $0x3  }
0xa: {  	_ =	strace s19  }
0xb: {  	s3 =	sld [smem:$0x3FFC];
	_ =	sdelay $0x3  }
0xc: {  	_ =	strace s3  }
0xd: {  	s3 =	sld [smem:$0x3FFD];
	_ =	sdelay $0x3  }
0xe: {  	_ =	strace s3  }
0xf: {  	_ =	strace $0x8FFFFFFF  }
0x10: {  	s20 =	sld [smem:$0x3FDB];
	_ =	sdelay $0x1  }
0x11: {  	s4 =	simm.s32 $_scs_section_size  }
0x12: {  	s5 =	simm.s32 $_size__tile_overlayer_lowered;
	s6 =	simm.s32 $_tile_overlayer_lowered  }
0x13: {  	s23 =	simm.s32 $0x1BFF;
	s22 =	sshll.u32 s6, $0x1;
	s3 =	sadd.s32 s4, s20  }
0x14: {  	s7 =	simm.s32 $0x0;
	s21 =	sshll.u32 s5, $0x1;
	s5 =	sadd.s32 s22, s3  }
0x15: {  	[timem:s7], [sflag:s23] =	dma.local [hbm:s5], s21  }
0x16: {  	_ =	swait.ge [sflag:s23], s21  }
0x17: {  	s4 =	ssub.s32 $0x0, s21;
	[sflag:s23] =	ssyncset.done $0x0  }
0x18: {  	[sflag:s23] =	ssyncadd.s32 s4;
	_ =	sdelay $0x1  }
0x19: {  	s24 =	simm.s32 $0x1B8B  }
0x1a: {  	_ =	swait.ge [sflag:s24], $0x1  }
0x1b: {  	[sflag:s24] =	ssyncset.done $0x0  }
0x1c: {  	s26 =	simm.s32 $0x1B8E;
	s25 =	sld [smem:$0x3FFE];
	[sflag:s24] =	ssyncadd.s32 $0xFFFFFFFF  }
0x1d: {  	s27 =	simm.s32 $execute0_lowered;
	[smem:$0x3FD2] =	sst s26  }
0x1e: {  	s5 =	sshll.u32 s27, $0x1;
	_ =	strace $0x80000049;
	[dreg:$0x1] =	wrdreg $0xFFFFFFFF  }
0x1f: {  	s28 =	simm.s32 $_size_execute0_lowered;
	s3 =	sadd.s32 s3, s5;
	[dreg:$0x0] =	wrdreg $0x0  }
0x20: {  	s5 =	sshll.u32 s28, $0x1;
	[dreg:$0x2] =	wrdreg s3  }
0x21: {  	[dreg:$0x3] =	wrdreg s5  }
0x22: {  	[dreg:$0x4] =	wrdreg $0xC0  }
0x23: {  	_ =	task [dreg:s7], $0x5FFFF  }
0x24: {  	[dreg:$0x1] =	wrdreg $0xFFFFFFFF  }
0x25: {  	[dreg:$0x0] =	wrdreg $0x60  }
0x26: {  	[dreg:$0x2] =	wrdreg s25  }
0x27: {  	[dreg:$0x3] =	wrdreg s2  }
0x28: {  	[dreg:$0x4] =	wrdreg $0x9  }
0x29: {  	_ =	task.clear_ibuf [dreg:s7], $0x5FFFF;
	_ =	strace $0x90000049  }
0x2a: {  	s29 =	simm.s32 $0x9;
	_ =	strace $0x8000004B  }
0x2b: {  	_ =	swait.ge [sflag:s29], $0x1  }
0x2c: {  	[sflag:s29] =	ssyncadd.s32 $0xFFFFFFFF  }
0x2d: {  	_ =	strace $0x9000004B  }
0x2e: {  	_ =	sfence  }
0x2f: {  	s30 =	sld [smem:$0x0];
	_ =	sdelay $0x2  }
0x30: {  	s31 =	sshll.u32 s1, $0xD;
	s1 =	sshrl.u32 s1, $0x2  }
0x31: {  	s3 =	sand.u32 $0x4000, s31;
	s1 =	sadd.s32 s1, s30  }
0x32: {  	s0 =	sor.u32 s3, s0;
	s1 =	sshll.u32 s1, $0x11  }
0x33: {  	s0 =	sor.u32 s1, s0  }
0x34: {  	s0 =	sadd.s32 $0x8F2B, s0  }
0x35: {  	[sflag:s0] =	ssyncadd.remote.s32 $0x1  }
0x36: {  	_ =	sfence.sel $0xFFFF  }
0x37: {  	[dreg:$0x0] =	wrdreg $0xFFFFFFFF;
	(pc) =	sbr.abs _section_cstart, $3  }
0x38: {  	[dreg:$0x1] =	wrdreg $0xFFFFFFFF  }
0x39: {  	_ =	task.clear_ibuf [dreg:s7], $0x2FFFF;
	_ =	strace $0x9FFFFFFF  }
0x3a: {  	(tm) =	ssettm $0x7FFFFFFF  }
0x3b: {  	_ =	shalt  }
tec
execute0_lowered:
.L_overlay_start_1:
0x0: {  	(tag) =	ssettag $0x1  }
0x1: {  	s0 =	srdreg.scid  }
0x2: {  	s1 =	sshll.u32 s0, $0x4  }
0x3: {  	s0 =	stileid.u32;
	s1 =	sand.u32 $0x10, s1  }
0x4: {  	s1 =	sor.u32 s0, s1  }
0x5: {  	s6 =	rddreg [dreg:$0x0];
	s4 =	simm.s32 $0x1;
	s2 =	sshll.u32 s1, $0x7  }
0x6: {  	s7 =	simm.s32 $0x2;
	s12 =	simm.s32 $0x0;
	s1 =	ssub.s32 $0x1000, s2  }
0x7: {  	s8 =	simm.s32 $0x8000;
	s13 =	simm.s32 $0x0;
	s3 =	sand.u32 $0xF80, s1  }
0x8: {  	s9 =	simm.s32 $0x0;
	s5 =	sshrl.u32 s1, $0xC;
	p0 =	sne.s32 s3, $0x0  }
.Ltmp0:
0x9: {  	s1 =	rddreg [dreg:$0x2];
	s4 =	simm.s32 @!p0 $0x0;
	(pc) =	sbr.rel .LBB1_1-.Ltmp0, $4  }
0xa: {  	s11 =	simm.s32 $0x0;
	s3 =	rddreg [dreg:$0x1];
	s5 =	sadd.s32 s4, s5  }
0xb: {  	_ =	strace $0x8000004A;
	s4 =	simm.s32 $0x1;
	s5 =	smul.u32 $0xC8, s5  }
0xc: {  	s6 =	sadd.s32 $0xA00, s6;
	s10 =	smov.u32 s2;
	[sflag:s4] =	ssyncpa.u1 $0x0  }
0xd: {  	p0 =	por $0x0, $0x0;
	[sflag:s7] =	ssyncpa.u1 $0x0;
	s7 =	sor.u32 $0x1, s5  }
.LBB1_4:
0xe: {  	s16 =	sshll.u32 s13, $0x3;
	s17 =	sand.u32 $0x78, s13  }
0xf: {  	s30 =	sand.u32 $0x7E00, s13;
	s12 =	sshll.u32 s12, $0xF;
	s16 =	sand.u32 $0xC00, s16  }
0x10: {  	[tilespmem:s15+$0x810 ss:$0x81] =	vst.msk $0xffff, v2;
	s31 =	sand.u32 $0x7, s13;
	s16 =	sor.u32 s17, s16;
	s17 =	sadd.s32 s3, s30  }
0x11: {  	[tilespmem:s15+$0x1020 ss:$0x81] =	vst.msk $0xffff, v0;
	s13 =	sshll.u32 s31, $0x12;
	s12 =	sadd.s32 s12, s17;
	s16 =	sshrl.u32 s16, $0x3  }
0x12: {  	[tilespmem:s15+$0x0 ss:$0x81] =	vst.msk $0xffff, v1;
	s13 =	sor.u32 $0x400, s13;
	s12 =	sadd.s32 s16, s12  }
0x13: {  	[hbm4b:s12+s13] =	stream.strided.scatter [tilespmem:s14], [sflag:$0x2], $0x2000, s8, s13, $0x20;
	[tilespmem:$0x8080] =	vst v63  }
.LBB1_5:
0x14: {  	s14 =	sadd.s32 $0x1, s9  }
0x15: {  	s12 =	sadd.s32 $0x1000, s10;
	s16 =	smov.u32 s10;
	p2 =	sgt.s32 s14, $0xC7  }
0x16: {  	s16 =	smov.u32 @p2 s12  }
0x17: {  	s14 =	simm.s32 @p2 $0x0;
	p2 =	sgt.s32 s16, $0xFFF  }
0x18: {  	s16 =	smov.u32 @p2 s2;
	p2 =	sne.s32 s11, s7  }
.Ltmp1:
0x19: {  	p1 =	slt.u32 s11, $0x2;
	(pc) =	sbr.rel @!p2 .LBB1_6-.Ltmp1, $4  }
0x1a: {  	s15 =	simm.s32 @!p1 $0x2  }
0x1b: {  	s13 =	smov.u32 s10;
	p0 =	por !p0, !p0;
	_ =	swait.ge @!p1 [sflag:s15], $0x2000  }
0x1c: {  	s12 =	smov.u32 s9;
	[sflag:s15] =	ssyncset.done @!p1 $0x0;
	s9 =	smov.u32 s14  }
0x1d: {  	s11 =	sadd.s32 $0x1, s11;
	[sflag:s15] =	ssyncadd.s32 @!p1 $0xFFFFE000;
	s10 =	smov.u32 s16  }
.LBB1_1:
0x1e: {  	p1 =	sge.u32 s11, s5  }
0x1f: {  	s14 =	sand.u32 @!p1 $0x1FFFFFF, s9  }
0x20: {  	s15 =	smulhi.u32 @!p1 $0x147AE15, s14;
	_ =	sdelay $0x1  }
0x21: {  	s15 =	smul.u32 @!p1 $0xC8, s15  }
0x22: {  	s16 =	sxor.u32 @!p1 $0xFFFFFFFF, s11;
	s17 =	smul.u32 @!p1 $0xC80, s10  }
0x23: {  	s31 =	sadd.s32 $0xFFFFFFFF, s11;
	s16 =	sshll.u32 @!p1 s16, $0xD;
	s14 =	ssub.s32 @!p1 s14, s15  }
0x24: {  	s15 =	sand.u32 @!p1 $0x2000, s16;
	s16 =	sadd.s32 @!p1 s6, s17;
	s14 =	sshll.u32 @!p1 s14, $0x4  }
0x25: {  	s17 =	simm.s32 @!p1 $0x6400;
	s14 =	sadd.s32 @!p1 s14, s16;
	s16 =	simm.s32 @!p1 $0x40  }
0x26: {  	[tilespmem:s15], [sflag:$0x1] =	stream.strided.gather @!p1 [hbm4b:s14+s16], $0x2000, s17, s16, $0x38;
	[tilespmem:$0x8080] =	vst v63  }
0x27: {  	p1 =	sge.u32 s31, s5  }
.Ltmp2:
0x28: {  	_ = 	snop;
	(pc) =	sbr.rel @p1 .LBB1_5-.Ltmp2, $1  }
0x29: {  	_ =	sdelay $0x3  }
0x2a: {  	s14 =	simm.s32 $0x1  }
0x2b: {  	_ =	swait.ge [sflag:s4], $0x2000;
	s14 =	simm.s32 @!p0 $0x0  }
0x2c: {  	[sflag:s4] =	ssyncset.done $0x0;
	s15 =	sshll.u32 s14, $0xD  }
0x2d: {  	[sflag:s4] =	ssyncadd.s32 $0xFFFFE000;
	s18 =	sor.u32 $0x20, s15  }
0x2e: {  	s14 =	smul.u32 $0x8100, s14;
	v3 =	vld [tilespmem:s18+$0x10]  }
0x2f: {  	s30 =	sand.u32 $0x1, s11;
	v2 =	vld [tilespmem:s18+$0xFFFFFFF0]  }
0x30: {  	s15 =	smul.u32 $0x8100, s30;
	s14 =	sshrl.u32 s14, $0x2;
	v0 =	vld [tilespmem:s18+$0x0]  }
0x31: {  	v1 =	vld [tilespmem:s18+$0xFFFFFFE0];
	s16 =	sor.u32 $0x4000, s14  }
0x32: {  	s31 =	sshrl.u32 s15, $0x2;
	s15 =	sadd.s32 $0x0, s16  }
0x33: {  	s17 =	simm.s32 $0x4;
	s18 =	sadd.s32 $0x40, s18;
	s14 =	sor.u32 $0x4000, s31;
	[tilespmem:s15+$0x1830 ss:$0x81] =	vst.msk $0xffff, v3  }
.LBB1_3:
0x34: {  	v3 =	vld [tilespmem:s18+$0x10];
	p1 =	sne.s32 s17, $0x1FC;
	[tilespmem:s15+$0x810 ss:$0x81] =	vst.msk $0xffff, v2;
	s19 =	smov.u32 s17;
	s17 =	sadd.s32 $0x4, s17  }
.Ltmp3:
0x35: {  	v2 =	vld [tilespmem:s18+$0xFFFFFFF0];
	[tilespmem:s15+$0x1020 ss:$0x81] =	vst.msk $0xffff, v0;
	(pc) =	sbr.rel @p1 .LBB1_3-.Ltmp3, $4  }
0x36: {  	v0 =	vld [tilespmem:s18+$0x0];
	[tilespmem:s15+$0x0 ss:$0x81] =	vst.msk $0xffff, v1  }
0x37: {  	s15 =	sshra.s32 s19, $0x2;
	v1 =	vld [tilespmem:s18+$0xFFFFFFE0]  }
0x38: {  	s15 =	sadd.s32 s15, s16  }
0x39: {  	s18 =	sadd.s32 $0x40, s18;
	[tilespmem:s15+$0x1830 ss:$0x81] =	vst.msk $0xffff, v3  }
.Ltmp4:
0x3a: {  	_ = 	snop;
	(pc) =	sbr.rel .LBB1_4-.Ltmp4, $1  }
0x3b: {  	_ =	sdelay $0x3  }
.LBB1_6:
0x3c: {  	_ =	sfence.sel $0x180000  }
0x3d: {  	s2 =	simm.s32 $0x1;
	[bflag:$0x0] =	sbarrier.arrive $0xFFFF  }
0x3e: {  	s31 =	simm.s32 $0x2;
	[sflag:s2] =	ssyncpa.u1 $0x1  }
0x3f: {  	[sflag:s31] =	ssyncpa.u1 $0x1  }
0x40: {  	p0 =	sne.s32 s0, $0x0;
	_ =	strace $0x9000004A  }
0x41: {  	s0 =	sadd.s32 @!p0 $0x100000, s1;
	[bflag:$0x2] =	sbarrier.arrive $0xFFFF  }
0x42: {  	[sflag:s0] =	ssyncadd.tile.s32 @!p0 $0x1;
	_ =	shalt  }
.Lfunc_end1:
_tile_overlayer_lowered:
.L_overlay_start_2:
0x43: {  	(tag) =	ssettag $0x2  }
0x44: {  	s0 =	rddreg [dreg:$0x0];
	s2 =	stileid.u32  }
0x45: {  	s1 =	rddreg [dreg:$0x1];
	p0 =	sne.s32 s2, $0x0  }
0x46: {  	s3 =	rddreg [dreg:$0x2];
	[bflag:$0x3] =	sbarrier.arrive $0xFFFF;
	s2 =	simm.s32 @!p0 $0x1C01  }
0x47: {  	[timem:s3], [sflag:s2] =	dma.local @!p0 [hbm:s0], s1  }
0x48: {  	s0 =	simm.s32 @!p0 $0x1  }
0x49: {  	_ =	swait.ge @!p0 [sflag:s0], s1  }
0x4a: {  	s1 =	ssub.s32 @!p0 $0x0, s1;
	[sflag:s0] =	ssyncset.done @!p0 $0x0  }
0x4b: {  	[sflag:s0] =	ssyncadd.s32 @!p0 s1  }
0x4c: {  	[bflag:$0x3] =	sbarrier.arrive $0xFFFF  }
0x4d: {  	_ =	shalt  }

</sc_bundles>
